<compile_context>
chip_gen: v7x
topology: tpu7x:2x2x1
jax: 0.10.2.dev20260603
libtpu: 0.0.44.dev20260713+nightly
codegen_flags: <defaults>
</compile_context>

<pallas_src>
import functools

import jax
import jax.numpy as jnp
from jax import lax
from jax.experimental import pallas as pl
from jax.experimental.pallas import tpu as pltpu
from jax.experimental.pallas import tpu_sc as plsc

L = 16


def _build(B, NZ, NC, NS, R):
    NW = NC * NS
    rows_per_w = B // NW
    n_chunks = rows_per_w // R
    n_groups = NZ // L
    mesh = plsc.VectorSubcoreMesh(core_axis_name="c", subcore_axis_name="s")

    @functools.partial(
        pl.kernel,
        out_type=jax.ShapeDtypeStruct((B, NZ), jnp.float32),
        mesh=mesh,
        compiler_params=pltpu.CompilerParams(needs_layout_passes=False),
        scratch_types=[
            pltpu.VMEM((NZ,), jnp.int32),
            pltpu.VMEM((R, NZ), jnp.float32),
            pltpu.VMEM((R, NZ), jnp.float32),
            pltpu.VMEM((R, NZ), jnp.float32),
            pltpu.VMEM((R, NZ), jnp.float32),
            pltpu.SemaphoreType.DMA,
            pltpu.SemaphoreType.DMA,
            pltpu.SemaphoreType.DMA,
            pltpu.SemaphoreType.DMA,
        ],
    )
    def k(h_hbm, idx_hbm, out_hbm, idx_v, in0, in1, ob0, ob1,
          si0, si1, so0, so1):
        wid = lax.axis_index("s") * NC + lax.axis_index("c")
        base = wid * rows_per_w
        pltpu.sync_copy(idx_hbm, idx_v)

        inb = (in0, in1)
        outb = (ob0, ob1)
        sin = (si0, si1)
        sout = (so0, so1)

        def start_in(ci, b):
            pltpu.async_copy(
                h_hbm.at[pl.ds(base + ci * R, R)], inb[b], sin[b])

        def start_out(ci, b):
            pltpu.async_copy(
                outb[b], out_hbm.at[pl.ds(base + ci * R, R)], sout[b])

        def wait_in(b):
            pltpu.make_async_copy(
                h_hbm.at[pl.ds(base, R)], inb[b], sin[b]).wait()

        def wait_out(b):
            pltpu.make_async_copy(
                outb[b], out_hbm.at[pl.ds(base, R)], sout[b]).wait()

        def compute(b):
            src, dst = inb[b], outb[b]

            @plsc.parallel_loop(0, n_groups, unroll=4)
            def _group(g):
                col = g * L
                idxg = idx_v[pl.ds(col, L)]
                for r in range(R):
                    rsel = jnp.full((L,), r, jnp.int32)
                    dst[r, pl.ds(col, L)] = plsc.load_gather(
                        src, [rsel, idxg])

        start_in(0, 0)
        start_in(1, 1)

        @pl.loop(0, n_chunks, step=2)
        def _chunk(ci):
            for b in range(2):
                cb = ci + b
                wait_in(b)

                @pl.when(cb >= 2)
                def _():
                    wait_out(b)

                compute(b)
                start_out(cb, b)

                @pl.when(cb + 2 < n_chunks)
                def _():
                    start_in(cb + 2, b)

        wait_out(0)
        wait_out(1)

    return k


def kernel(h, indices):
    B, NZ = h.shape
    info = plsc.get_sparse_core_info()
    k = _build(B, NZ, info.num_cores, info.num_subcores, R=8)
    return k(h, indices)

# --- scband reference (transcript-rebuilt; emitter-appended) ---
"""Pipeline reference for scband-shuffle-features-59201829208428 (READ-ONLY COPY).

The authoritative reference and input builder live on the scoring server;
editing this copy changes nothing except your own understanding.
"""

import jax, jax.numpy as jnp
import numpy as np

NZ = 2048
B = 16384

def setup_inputs(seed: int = 0) -> dict:
    key = jax.random.key(seed)
    h = jax.random.normal(key, (B, NZ), dtype=jnp.float32)
    # fixed shuffled permutation of channel indices (module buffer, not trainable)
    rng = np.random.RandomState(0)
    idx = np.arange(NZ)
    rng.shuffle(idx)
    indices = jnp.asarray(idx, dtype=jnp.int32)
    return {"h": h, "indices": indices}

def reference(h, indices):
    # original: h.permute(1,0); gather rows by indices; permute back
    # equivalent to selecting/permuting feature channels: out[b, i] = h[b, indices[i]]
    ht = jnp.transpose(h, (1, 0))          # [nz, B]
    ht = jnp.take(ht, indices, axis=0)     # gather along dim 0
    out = jnp.transpose(ht, (1, 0))        # [B, nz]
    return out

if __name__ == "__main__":
    import jax
    _d = setup_inputs()
    print(jax.jit(kernel)(*tuple(_d.values())))

</pallas_src>

<mosaic_0001>
#map = affine_map<(d0, d1) -> (0, 0)>
#map1 = affine_map<(d0, d1) -> (0)>
module attributes {stable_mosaic.version = 14 : i64} {
  func.func @k(%arg0: i32, %arg1: i32, %arg2: memref<16384x2048xf32, #tpu.memory_space<hbm>>, %arg3: memref<2048xi32, #tpu.memory_space<hbm>>, %arg4: memref<16384x2048xf32, #tpu.memory_space<hbm>>, %arg5: memref<2048xi32, #tpu.memory_space<vmem>>, %arg6: memref<8x2048xf32, #tpu.memory_space<vmem>>, %arg7: memref<8x2048xf32, #tpu.memory_space<vmem>>, %arg8: memref<8x2048xf32, #tpu.memory_space<vmem>>, %arg9: memref<8x2048xf32, #tpu.memory_space<vmem>>, %arg10: memref<!tpu.dma_semaphore, #tpu.memory_space<semaphore_mem>>, %arg11: memref<!tpu.dma_semaphore, #tpu.memory_space<semaphore_mem>>, %arg12: memref<!tpu.dma_semaphore, #tpu.memory_space<semaphore_mem>>, %arg13: memref<!tpu.dma_semaphore, #tpu.memory_space<semaphore_mem>>) attributes {dimension_semantics = [#tpu.dimension_semantics<core_parallel>, #tpu.dimension_semantics<subcore_parallel>], iteration_bounds = array<i64: 2, 16>, scalar_prefetch = 0 : i64, scratch_operands = 9 : i64, tpu.core_type = #tpu.core_type<sc_vector_subcore>, window_params = [{transform_indices = #map}, {transform_indices = #map1}, {transform_indices = #map}]} {
    %mul3A = arith.constant 2 : i32
    %mul3A_0 = arith.muli %arg1, %mul3A : i32
    %add3A = arith.addi %mul3A_0, %arg0 : i32
    %mul3A_1 = arith.constant 512 : i32
    %mul3A_2 = arith.muli %add3A, %mul3A_1 : i32
    "tpu.region"() ({
      %run_scoped3A = tpu.sem_alloc : memref<!tpu.dma_semaphore, #tpu.memory_space<semaphore_mem>>
      tpu.enqueue_dma source(%arg3 : memref<2048xi32, #tpu.memory_space<hbm>>) target(%arg5 : memref<2048xi32, #tpu.memory_space<vmem>>) target_semaphore(%run_scoped3A : memref<!tpu.dma_semaphore, #tpu.memory_space<semaphore_mem>>)
      tpu.wait_dma2 semaphore(%run_scoped3A : memref<!tpu.dma_semaphore, #tpu.memory_space<semaphore_mem>>) src(%arg3 : memref<2048xi32, #tpu.memory_space<hbm>>) dst(%arg5 : memref<2048xi32, #tpu.memory_space<vmem>>)
      tpu.yield
    }) : () -> ()
    %add3A_3 = arith.constant 0 : i32
    %add3A_4 = arith.addi %mul3A_2, %add3A_3 : i32
    %dma_start3A = arith.constant 0 : i32
    %dma_start3A_5 = tpu.memref_slice %arg2[%add3A_4, %dma_start3A] : memref<16384x2048xf32, #tpu.memory_space<hbm>> -> memref<8x2048xf32, #tpu.memory_space<hbm>>
    %dma_start3A_6 = arith.constant 0 : i32
    %dma_start3A_7 = tpu.memref_slice %arg2[%add3A_4, %dma_start3A_6] : memref<16384x2048xf32, #tpu.memory_space<hbm>> -> memref<8x2048xf32, #tpu.memory_space<hbm>>
    tpu.enqueue_dma source(%dma_start3A_7 : memref<8x2048xf32, #tpu.memory_space<hbm>>) target(%arg6 : memref<8x2048xf32, #tpu.memory_space<vmem>>) target_semaphore(%arg10 : memref<!tpu.dma_semaphore, #tpu.memory_space<semaphore_mem>>)
    %add3A_8 = arith.constant 8 : i32
    %add3A_9 = arith.addi %mul3A_2, %add3A_8 : i32
    %dma_start3A_10 = arith.constant 0 : i32
    %dma_start3A_11 = tpu.memref_slice %arg2[%add3A_9, %dma_start3A_10] : memref<16384x2048xf32, #tpu.memory_space<hbm>> -> memref<8x2048xf32, #tpu.memory_space<hbm>>
    %dma_start3A_12 = arith.constant 0 : i32
    %dma_start3A_13 = tpu.memref_slice %arg2[%add3A_9, %dma_start3A_12] : memref<16384x2048xf32, #tpu.memory_space<hbm>> -> memref<8x2048xf32, #tpu.memory_space<hbm>>
    tpu.enqueue_dma source(%dma_start3A_13 : memref<8x2048xf32, #tpu.memory_space<hbm>>) target(%arg7 : memref<8x2048xf32, #tpu.memory_space<vmem>>) target_semaphore(%arg11 : memref<!tpu.dma_semaphore, #tpu.memory_space<semaphore_mem>>)
    %scan3A = arith.constant 0 : i32
    %scan3A_14 = arith.constant 32 : i32
    %scan3A_15 = arith.addi %scan3A, %scan3A_14 : i32
    %scan3A_16 = arith.constant 1 : i32
    scf.for %scan3A_25 = %scan3A to %scan3A_15 step %scan3A_16  : i32 {
      %mul3A_26 = arith.constant 2 : i32
      %mul3A_27 = arith.muli %scan3A_25, %mul3A_26 : i32
      %add3A_28 = arith.constant 0 : i32
      %add3A_29 = arith.addi %add3A_28, %mul3A_27 : i32
      %add3A_30 = arith.constant 0 : i32
      %add3A_31 = arith.addi %add3A_29, %add3A_30 : i32
      %dma_wait3A_32 = arith.constant 0 : i32
      %dma_wait3A_33 = tpu.memref_slice %arg2[%mul3A_2, %dma_wait3A_32] : memref<16384x2048xf32, #tpu.memory_space<hbm>> -> memref<8x2048xf32, #tpu.memory_space<hbm>>
      %dma_wait3A_34 = arith.constant 0 : i32
      %dma_wait3A_35 = tpu.memref_slice %arg2[%mul3A_2, %dma_wait3A_34] : memref<16384x2048xf32, #tpu.memory_space<hbm>> -> memref<8x2048xf32, #tpu.memory_space<hbm>>
      tpu.wait_dma2 semaphore(%arg10 : memref<!tpu.dma_semaphore, #tpu.memory_space<semaphore_mem>>) src(%dma_wait3A_35 : memref<8x2048xf32, #tpu.memory_space<hbm>>) dst(%arg6 : memref<8x2048xf32, #tpu.memory_space<vmem>>)
      %ge3A = arith.constant 2 : i32
      %ge3A_36 = arith.cmpi sge, %add3A_31, %ge3A : i32
      %convert_element_type3A = arith.extui %ge3A_36 : i1 to i32
      %cond3A = arith.constant 0 : i32
      %cond3A_37 = arith.cmpi ne, %convert_element_type3A, %cond3A : i32
      scf.if %cond3A_37 {
        %dma_wait3A_81 = arith.constant 0 : i32
        %dma_wait3A_82 = tpu.memref_slice %arg4[%mul3A_2, %dma_wait3A_81] : memref<16384x2048xf32, #tpu.memory_space<hbm>> -> memref<8x2048xf32, #tpu.memory_space<hbm>>
        %dma_wait3A_83 = arith.constant 0 : i32
        %dma_wait3A_84 = tpu.memref_slice %arg4[%mul3A_2, %dma_wait3A_83] : memref<16384x2048xf32, #tpu.memory_space<hbm>> -> memref<8x2048xf32, #tpu.memory_space<hbm>>
        tpu.wait_dma2 semaphore(%arg12 : memref<!tpu.dma_semaphore, #tpu.memory_space<semaphore_mem>>) src(%arg8 : memref<8x2048xf32, #tpu.memory_space<vmem>>) dst(%dma_wait3A_84 : memref<8x2048xf32, #tpu.memory_space<hbm>>)
      } else {
      }
      %parallel_loop3A = arith.constant 0 : i32
      %parallel_loop3A_38 = arith.constant 128 : i32
      %parallel_loop3A_39 = arith.constant 1 : i32
      scf.for %parallel_loop3A_81 = %parallel_loop3A to %parallel_loop3A_38 step %parallel_loop3A_39  : i32 {
        %parallel_loop3A_82 = arith.constant 16 : i32
        %parallel_loop3A_83 = arith.muli %parallel_loop3A_81, %parallel_loop3A_82 : i32
        %parallel_loop3A_84 = arith.index_cast %parallel_loop3A_83 : i32 to index
        %parallel_loop3A_85 = tpu.vector_load %arg5[%parallel_loop3A_84] {strides = array<i32>} : memref<2048xi32, #tpu.memory_space<vmem>>, vector<16xi32>,
        %parallel_loop3A_86 = arith.constant 0 : i32
        %parallel_loop3A_87 = vector.broadcast %parallel_loop3A_86 : i32 to vector<16xi32>
        %parallel_loop3A_88 = tpu.vector_load_idx %arg6[%parallel_loop3A_87, %parallel_loop3A_85] : memref<8x2048xf32, #tpu.memory_space<vmem>>[vector<16xi32>, vector<16xi32>], vector<16xf32>,
        %parallel_loop3A_89 = arith.constant 0 : i32
        %parallel_loop3A_90 = arith.index_cast %parallel_loop3A_89 : i32 to index
        %parallel_loop3A_91 = arith.index_cast %parallel_loop3A_83 : i32 to index
        %parallel_loop3A_92 = tpu.vector_load %arg8[%parallel_loop3A_90, %parallel_loop3A_91] {strides = array<i32>} : memref<8x2048xf32, #tpu.memory_space<vmem>>, vector<16xf32>,
        tpu.vector_store %arg8[%parallel_loop3A_90, %parallel_loop3A_91], %parallel_loop3A_88 {strides = array<i32>} : memref<8x2048xf32, #tpu.memory_space<vmem>>, vector<16xf32>,
        %parallel_loop3A_93 = arith.constant 1 : i32
        %parallel_loop3A_94 = vector.broadcast %parallel_loop3A_93 : i32 to vector<16xi32>
        %parallel_loop3A_95 = tpu.vector_load_idx %arg6[%parallel_loop3A_94, %parallel_loop3A_85] : memref<8x2048xf32, #tpu.memory_space<vmem>>[vector<16xi32>, vector<16xi32>], vector<16xf32>,
        %parallel_loop3A_96 = arith.constant 1 : i32
        %parallel_loop3A_97 = arith.index_cast %parallel_loop3A_96 : i32 to index
        %parallel_loop3A_98 = arith.index_cast %parallel_loop3A_83 : i32 to index
        %parallel_loop3A_99 = tpu.vector_load %arg8[%parallel_loop3A_97, %parallel_loop3A_98] {strides = array<i32>} : memref<8x2048xf32, #tpu.memory_space<vmem>>, vector<16xf32>,
        tpu.vector_store %arg8[%parallel_loop3A_97, %parallel_loop3A_98], %parallel_loop3A_95 {strides = array<i32>} : memref<8x2048xf32, #tpu.memory_space<vmem>>, vector<16xf32>,
        %parallel_loop3A_100 = arith.constant 2 : i32
        %parallel_loop3A_101 = vector.broadcast %parallel_loop3A_100 : i32 to vector<16xi32>
        %parallel_loop3A_102 = tpu.vector_load_idx %arg6[%parallel_loop3A_101, %parallel_loop3A_85] : memref<8x2048xf32, #tpu.memory_space<vmem>>[vector<16xi32>, vector<16xi32>], vector<16xf32>,
        %parallel_loop3A_103 = arith.constant 2 : i32
        %parallel_loop3A_104 = arith.index_cast %parallel_loop3A_103 : i32 to index
        %parallel_loop3A_105 = arith.index_cast %parallel_loop3A_83 : i32 to index
        %parallel_loop3A_106 = tpu.vector_load %arg8[%parallel_loop3A_104, %parallel_loop3A_105] {strides = array<i32>} : memref<8x2048xf32, #tpu.memory_space<vmem>>, vector<16xf32>,
        tpu.vector_store %arg8[%parallel_loop3A_104, %parallel_loop3A_105], %parallel_loop3A_102 {strides = array<i32>} : memref<8x2048xf32, #tpu.memory_space<vmem>>, vector<16xf32>,
        %parallel_loop3A_107 = arith.constant 3 : i32
        %parallel_loop3A_108 = vector.broadcast %parallel_loop3A_107 : i32 to vector<16xi32>
        %parallel_loop3A_109 = tpu.vector_load_idx %arg6[%parallel_loop3A_108, %parallel_loop3A_85] : memref<8x2048xf32, #tpu.memory_space<vmem>>[vector<16xi32>, vector<16xi32>], vector<16xf32>,
        %parallel_loop3A_110 = arith.constant 3 : i32
        %parallel_loop3A_111 = arith.index_cast %parallel_loop3A_110 : i32 to index
        %parallel_loop3A_112 = arith.index_cast %parallel_loop3A_83 : i32 to index
        %parallel_loop3A_113 = tpu.vector_load %arg8[%parallel_loop3A_111, %parallel_loop3A_112] {strides = array<i32>} : memref<8x2048xf32, #tpu.memory_space<vmem>>, vector<16xf32>,
        tpu.vector_store %arg8[%parallel_loop3A_111, %parallel_loop3A_112], %parallel_loop3A_109 {strides = array<i32>} : memref<8x2048xf32, #tpu.memory_space<vmem>>, vector<16xf32>,
        %parallel_loop3A_114 = arith.constant 4 : i32
        %parallel_loop3A_115 = vector.broadcast %parallel_loop3A_114 : i32 to vector<16xi32>
        %parallel_loop3A_116 = tpu.vector_load_idx %arg6[%parallel_loop3A_115, %parallel_loop3A_85] : memref<8x2048xf32, #tpu.memory_space<vmem>>[vector<16xi32>, vector<16xi32>], vector<16xf32>,
        %parallel_loop3A_117 = arith.constant 4 : i32
        %parallel_loop3A_118 = arith.index_cast %parallel_loop3A_117 : i32 to index
        %parallel_loop3A_119 = arith.index_cast %parallel_loop3A_83 : i32 to index
        %parallel_loop3A_120 = tpu.vector_load %arg8[%parallel_loop3A_118, %parallel_loop3A_119] {strides = array<i32>} : memref<8x2048xf32, #tpu.memory_space<vmem>>, vector<16xf32>,
        tpu.vector_store %arg8[%parallel_loop3A_118, %parallel_loop3A_119], %parallel_loop3A_116 {strides = array<i32>} : memref<8x2048xf32, #tpu.memory_space<vmem>>, vector<16xf32>,
        %parallel_loop3A_121 = arith.constant 5 : i32
        %parallel_loop3A_122 = vector.broadcast %parallel_loop3A_121 : i32 to vector<16xi32>
        %parallel_loop3A_123 = tpu.vector_load_idx %arg6[%parallel_loop3A_122, %parallel_loop3A_85] : memref<8x2048xf32, #tpu.memory_space<vmem>>[vector<16xi32>, vector<16xi32>], vector<16xf32>,
        %parallel_loop3A_124 = arith.constant 5 : i32
        %parallel_loop3A_125 = arith.index_cast %parallel_loop3A_124 : i32 to index
        %parallel_loop3A_126 = arith.index_cast %parallel_loop3A_83 : i32 to index
        %parallel_loop3A_127 = tpu.vector_load %arg8[%parallel_loop3A_125, %parallel_loop3A_126] {strides = array<i32>} : memref<8x2048xf32, #tpu.memory_space<vmem>>, vector<16xf32>,
        tpu.vector_store %arg8[%parallel_loop3A_125, %parallel_loop3A_126], %parallel_loop3A_123 {strides = array<i32>} : memref<8x2048xf32, #tpu.memory_space<vmem>>, vector<16xf32>,
        %parallel_loop3A_128 = arith.constant 6 : i32
        %parallel_loop3A_129 = vector.broadcast %parallel_loop3A_128 : i32 to vector<16xi32>
        %parallel_loop3A_130 = tpu.vector_load_idx %arg6[%parallel_loop3A_129, %parallel_loop3A_85] : memref<8x2048xf32, #tpu.memory_space<vmem>>[vector<16xi32>, vector<16xi32>], vector<16xf32>,
        %parallel_loop3A_131 = arith.constant 6 : i32
        %parallel_loop3A_132 = arith.index_cast %parallel_loop3A_131 : i32 to index
        %parallel_loop3A_133 = arith.index_cast %parallel_loop3A_83 : i32 to index
        %parallel_loop3A_134 = tpu.vector_load %arg8[%parallel_loop3A_132, %parallel_loop3A_133] {strides = array<i32>} : memref<8x2048xf32, #tpu.memory_space<vmem>>, vector<16xf32>,
        tpu.vector_store %arg8[%parallel_loop3A_132, %parallel_loop3A_133], %parallel_loop3A_130 {strides = array<i32>} : memref<8x2048xf32, #tpu.memory_space<vmem>>, vector<16xf32>,
        %parallel_loop3A_135 = arith.constant 7 : i32
        %parallel_loop3A_136 = vector.broadcast %parallel_loop3A_135 : i32 to vector<16xi32>
        %parallel_loop3A_137 = tpu.vector_load_idx %arg6[%parallel_loop3A_136, %parallel_loop3A_85] : memref<8x2048xf32, #tpu.memory_space<vmem>>[vector<16xi32>, vector<16xi32>], vector<16xf32>,
        %parallel_loop3A_138 = arith.constant 7 : i32
        %parallel_loop3A_139 = arith.index_cast %parallel_loop3A_138 : i32 to index
        %parallel_loop3A_140 = arith.index_cast %parallel_loop3A_83 : i32 to index
        %parallel_loop3A_141 = tpu.vector_load %arg8[%parallel_loop3A_139, %parallel_loop3A_140] {strides = array<i32>} : memref<8x2048xf32, #tpu.memory_space<vmem>>, vector<16xf32>,
        tpu.vector_store %arg8[%parallel_loop3A_139, %parallel_loop3A_140], %parallel_loop3A_137 {strides = array<i32>} : memref<8x2048xf32, #tpu.memory_space<vmem>>, vector<16xf32>,
      } {sc.loop_unroll_factor = 4 : i64, sc.parallel_access}
      %mul3A_40 = arith.constant 8 : i32
      %mul3A_41 = arith.muli %add3A_31, %mul3A_40 : i32
      %add3A_42 = arith.addi %mul3A_2, %mul3A_41 : i32
      %dma_start3A_43 = arith.constant 0 : i32
      %dma_start3A_44 = tpu.memref_slice %arg4[%add3A_42, %dma_start3A_43] : memref<16384x2048xf32, #tpu.memory_space<hbm>> -> memref<8x2048xf32, #tpu.memory_space<hbm>>
      %dma_start3A_45 = arith.constant 0 : i32
      %dma_start3A_46 = tpu.memref_slice %arg4[%add3A_42, %dma_start3A_45] : memref<16384x2048xf32, #tpu.memory_space<hbm>> -> memref<8x2048xf32, #tpu.memory_space<hbm>>
      tpu.enqueue_dma source(%arg8 : memref<8x2048xf32, #tpu.memory_space<vmem>>) target(%dma_start3A_46 : memref<8x2048xf32, #tpu.memory_space<hbm>>) target_semaphore(%arg12 : memref<!tpu.dma_semaphore, #tpu.memory_space<semaphore_mem>>)
      %add3A_47 = arith.constant 2 : i32
      %add3A_48 = arith.addi %add3A_31, %add3A_47 : i32
      %lt3A = arith.constant 64 : i32
      %lt3A_49 = arith.cmpi slt, %add3A_48, %lt3A : i32
      %convert_element_type3A_50 = arith.extui %lt3A_49 : i1 to i32
      %cond3A_51 = arith.constant 0 : i32
      %cond3A_52 = arith.cmpi ne, %convert_element_type3A_50, %cond3A_51 : i32
      scf.if %cond3A_52 {
        %add3A_81 = arith.constant 2 : i32
        %add3A_82 = arith.addi %add3A_31, %add3A_81 : i32
        %mul3A_83 = arith.constant 8 : i32
        %mul3A_84 = arith.muli %add3A_82, %mul3A_83 : i32
        %add3A_85 = arith.addi %mul3A_2, %mul3A_84 : i32
        %dma_start3A_86 = arith.constant 0 : i32
        %dma_start3A_87 = tpu.memref_slice %arg2[%add3A_85, %dma_start3A_86] : memref<16384x2048xf32, #tpu.memory_space<hbm>> -> memref<8x2048xf32, #tpu.memory_space<hbm>>
        %dma_start3A_88 = arith.constant 0 : i32
        %dma_start3A_89 = tpu.memref_slice %arg2[%add3A_85, %dma_start3A_88] : memref<16384x2048xf32, #tpu.memory_space<hbm>> -> memref<8x2048xf32, #tpu.memory_space<hbm>>
        tpu.enqueue_dma source(%dma_start3A_89 : memref<8x2048xf32, #tpu.memory_space<hbm>>) target(%arg6 : memref<8x2048xf32, #tpu.memory_space<vmem>>) target_semaphore(%arg10 : memref<!tpu.dma_semaphore, #tpu.memory_space<semaphore_mem>>)
      } else {
      }
      %add3A_53 = arith.constant 1 : i32
      %add3A_54 = arith.addi %add3A_29, %add3A_53 : i32
      %dma_wait3A_55 = arith.constant 0 : i32
      %dma_wait3A_56 = tpu.memref_slice %arg2[%mul3A_2, %dma_wait3A_55] : memref<16384x2048xf32, #tpu.memory_space<hbm>> -> memref<8x2048xf32, #tpu.memory_space<hbm>>
      %dma_wait3A_57 = arith.constant 0 : i32
      %dma_wait3A_58 = tpu.memref_slice %arg2[%mul3A_2, %dma_wait3A_57] : memref<16384x2048xf32, #tpu.memory_space<hbm>> -> memref<8x2048xf32, #tpu.memory_space<hbm>>
      tpu.wait_dma2 semaphore(%arg11 : memref<!tpu.dma_semaphore, #tpu.memory_space<semaphore_mem>>) src(%dma_wait3A_58 : memref<8x2048xf32, #tpu.memory_space<hbm>>) dst(%arg7 : memref<8x2048xf32, #tpu.memory_space<vmem>>)
      %ge3A_59 = arith.constant 2 : i32
      %ge3A_60 = arith.cmpi sge, %add3A_54, %ge3A_59 : i32
      %convert_element_type3A_61 = arith.extui %ge3A_60 : i1 to i32
      %cond3A_62 = arith.constant 0 : i32
      %cond3A_63 = arith.cmpi ne, %convert_element_type3A_61, %cond3A_62 : i32
      scf.if %cond3A_63 {
        %dma_wait3A_81 = arith.constant 0 : i32
        %dma_wait3A_82 = tpu.memref_slice %arg4[%mul3A_2, %dma_wait3A_81] : memref<16384x2048xf32, #tpu.memory_space<hbm>> -> memref<8x2048xf32, #tpu.memory_space<hbm>>
        %dma_wait3A_83 = arith.constant 0 : i32
        %dma_wait3A_84 = tpu.memref_slice %arg4[%mul3A_2, %dma_wait3A_83] : memref<16384x2048xf32, #tpu.memory_space<hbm>> -> memref<8x2048xf32, #tpu.memory_space<hbm>>
        tpu.wait_dma2 semaphore(%arg13 : memref<!tpu.dma_semaphore, #tpu.memory_space<semaphore_mem>>) src(%arg9 : memref<8x2048xf32, #tpu.memory_space<vmem>>) dst(%dma_wait3A_84 : memref<8x2048xf32, #tpu.memory_space<hbm>>)
      } else {
      }
      %parallel_loop3A_64 = arith.constant 0 : i32
      %parallel_loop3A_65 = arith.constant 128 : i32
      %parallel_loop3A_66 = arith.constant 1 : i32
      scf.for %parallel_loop3A_81 = %parallel_loop3A_64 to %parallel_loop3A_65 step %parallel_loop3A_66  : i32 {
        %parallel_loop3A_82 = arith.constant 16 : i32
        %parallel_loop3A_83 = arith.muli %parallel_loop3A_81, %parallel_loop3A_82 : i32
        %parallel_loop3A_84 = arith.index_cast %parallel_loop3A_83 : i32 to index
        %parallel_loop3A_85 = tpu.vector_load %arg5[%parallel_loop3A_84] {strides = array<i32>} : memref<2048xi32, #tpu.memory_space<vmem>>, vector<16xi32>,
        %parallel_loop3A_86 = arith.constant 0 : i32
        %parallel_loop3A_87 = vector.broadcast %parallel_loop3A_86 : i32 to vector<16xi32>
        %parallel_loop3A_88 = tpu.vector_load_idx %arg7[%parallel_loop3A_87, %parallel_loop3A_85] : memref<8x2048xf32, #tpu.memory_space<vmem>>[vector<16xi32>, vector<16xi32>], vector<16xf32>,
        %parallel_loop3A_89 = arith.constant 0 : i32
        %parallel_loop3A_90 = arith.index_cast %parallel_loop3A_89 : i32 to index
        %parallel_loop3A_91 = arith.index_cast %parallel_loop3A_83 : i32 to index
        %parallel_loop3A_92 = tpu.vector_load %arg9[%parallel_loop3A_90, %parallel_loop3A_91] {strides = array<i32>} : memref<8x2048xf32, #tpu.memory_space<vmem>>, vector<16xf32>,
        tpu.vector_store %arg9[%parallel_loop3A_90, %parallel_loop3A_91], %parallel_loop3A_88 {strides = array<i32>} : memref<8x2048xf32, #tpu.memory_space<vmem>>, vector<16xf32>,
        %parallel_loop3A_93 = arith.constant 1 : i32
        %parallel_loop3A_94 = vector.broadcast %parallel_loop3A_93 : i32 to vector<16xi32>
        %parallel_loop3A_95 = tpu.vector_load_idx %arg7[%parallel_loop3A_94, %parallel_loop3A_85] : memref<8x2048xf32, #tpu.memory_space<vmem>>[vector<16xi32>, vector<16xi32>], vector<16xf32>,
        %parallel_loop3A_96 = arith.constant 1 : i32
        %parallel_loop3A_97 = arith.index_cast %parallel_loop3A_96 : i32 to index
        %parallel_loop3A_98 = arith.index_cast %parallel_loop3A_83 : i32 to index
        %parallel_loop3A_99 = tpu.vector_load %arg9[%parallel_loop3A_97, %parallel_loop3A_98] {strides = array<i32>} : memref<8x2048xf32, #tpu.memory_space<vmem>>, vector<16xf32>,
        tpu.vector_store %arg9[%parallel_loop3A_97, %parallel_loop3A_98], %parallel_loop3A_95 {strides = array<i32>} : memref<8x2048xf32, #tpu.memory_space<vmem>>, vector<16xf32>,
        %parallel_loop3A_100 = arith.constant 2 : i32
        %parallel_loop3A_101 = vector.broadcast %parallel_loop3A_100 : i32 to vector<16xi32>
        %parallel_loop3A_102 = tpu.vector_load_idx %arg7[%parallel_loop3A_101, %parallel_loop3A_85] : memref<8x2048xf32, #tpu.memory_space<vmem>>[vector<16xi32>, vector<16xi32>], vector<16xf32>,
        %parallel_loop3A_103 = arith.constant 2 : i32
        %parallel_loop3A_104 = arith.index_cast %parallel_loop3A_103 : i32 to index
        %parallel_loop3A_105 = arith.index_cast %parallel_loop3A_83 : i32 to index
        %parallel_loop3A_106 = tpu.vector_load %arg9[%parallel_loop3A_104, %parallel_loop3A_105] {strides = array<i32>} : memref<8x2048xf32, #tpu.memory_space<vmem>>, vector<16xf32>,
        tpu.vector_store %arg9[%parallel_loop3A_104, %parallel_loop3A_105], %parallel_loop3A_102 {strides = array<i32>} : memref<8x2048xf32, #tpu.memory_space<vmem>>, vector<16xf32>,
        %parallel_loop3A_107 = arith.constant 3 : i32
        %parallel_loop3A_108 = vector.broadcast %parallel_loop3A_107 : i32 to vector<16xi32>
        %parallel_loop3A_109 = tpu.vector_load_idx %arg7[%parallel_loop3A_108, %parallel_loop3A_85] : memref<8x2048xf32, #tpu.memory_space<vmem>>[vector<16xi32>, vector<16xi32>], vector<16xf32>,
        %parallel_loop3A_110 = arith.constant 3 : i32
        %parallel_loop3A_111 = arith.index_cast %parallel_loop3A_110 : i32 to index
        %parallel_loop3A_112 = arith.index_cast %parallel_loop3A_83 : i32 to index
        %parallel_loop3A_113 = tpu.vector_load %arg9[%parallel_loop3A_111, %parallel_loop3A_112] {strides = array<i32>} : memref<8x2048xf32, #tpu.memory_space<vmem>>, vector<16xf32>,
        tpu.vector_store %arg9[%parallel_loop3A_111, %parallel_loop3A_112], %parallel_loop3A_109 {strides = array<i32>} : memref<8x2048xf32, #tpu.memory_space<vmem>>, vector<16xf32>,
        %parallel_loop3A_114 = arith.constant 4 : i32
        %parallel_loop3A_115 = vector.broadcast %parallel_loop3A_114 : i32 to vector<16xi32>
        %parallel_loop3A_116 = tpu.vector_load_idx %arg7[%parallel_loop3A_115, %parallel_loop3A_85] : memref<8x2048xf32, #tpu.memory_space<vmem>>[vector<16xi32>, vector<16xi32>], vector<16xf32>,
        %parallel_loop3A_117 = arith.constant 4 : i32
        %parallel_loop3A_118 = arith.index_cast %parallel_loop3A_117 : i32 to index
        %parallel_loop3A_119 = arith.index_cast %parallel_loop3A_83 : i32 to index
        %parallel_loop3A_120 = tpu.vector_load %arg9[%parallel_loop3A_118, %parallel_loop3A_119] {strides = array<i32>} : memref<8x2048xf32, #tpu.memory_space<vmem>>, vector<16xf32>,
        tpu.vector_store %arg9[%parallel_loop3A_118, %parallel_loop3A_119], %parallel_loop3A_116 {strides = array<i32>} : memref<8x2048xf32, #tpu.memory_space<vmem>>, vector<16xf32>,
        %parallel_loop3A_121 = arith.constant 5 : i32
        %parallel_loop3A_122 = vector.broadcast %parallel_loop3A_121 : i32 to vector<16xi32>
        %parallel_loop3A_123 = tpu.vector_load_idx %arg7[%parallel_loop3A_122, %parallel_loop3A_85] : memref<8x2048xf32, #tpu.memory_space<vmem>>[vector<16xi32>, vector<16xi32>], vector<16xf32>,
        %parallel_loop3A_124 = arith.constant 5 : i32
        %parallel_loop3A_125 = arith.index_cast %parallel_loop3A_124 : i32 to index
        %parallel_loop3A_126 = arith.index_cast %parallel_loop3A_83 : i32 to index
        %parallel_loop3A_127 = tpu.vector_load %arg9[%parallel_loop3A_125, %parallel_loop3A_126] {strides = array<i32>} : memref<8x2048xf32, #tpu.memory_space<vmem>>, vector<16xf32>,
        tpu.vector_store %arg9[%parallel_loop3A_125, %parallel_loop3A_126], %parallel_loop3A_123 {strides = array<i32>} : memref<8x2048xf32, #tpu.memory_space<vmem>>, vector<16xf32>,
        %parallel_loop3A_128 = arith.constant 6 : i32
        %parallel_loop3A_129 = vector.broadcast %parallel_loop3A_128 : i32 to vector<16xi32>
        %parallel_loop3A_130 = tpu.vector_load_idx %arg7[%parallel_loop3A_129, %parallel_loop3A_85] : memref<8x2048xf32, #tpu.memory_space<vmem>>[vector<16xi32>, vector<16xi32>], vector<16xf32>,
        %parallel_loop3A_131 = arith.constant 6 : i32
        %parallel_loop3A_132 = arith.index_cast %parallel_loop3A_131 : i32 to index
        %parallel_loop3A_133 = arith.index_cast %parallel_loop3A_83 : i32 to index
        %parallel_loop3A_134 = tpu.vector_load %arg9[%parallel_loop3A_132, %parallel_loop3A_133] {strides = array<i32>} : memref<8x2048xf32, #tpu.memory_space<vmem>>, vector<16xf32>,
        tpu.vector_store %arg9[%parallel_loop3A_132, %parallel_loop3A_133], %parallel_loop3A_130 {strides = array<i32>} : memref<8x2048xf32, #tpu.memory_space<vmem>>, vector<16xf32>,
        %parallel_loop3A_135 = arith.constant 7 : i32
        %parallel_loop3A_136 = vector.broadcast %parallel_loop3A_135 : i32 to vector<16xi32>
        %parallel_loop3A_137 = tpu.vector_load_idx %arg7[%parallel_loop3A_136, %parallel_loop3A_85] : memref<8x2048xf32, #tpu.memory_space<vmem>>[vector<16xi32>, vector<16xi32>], vector<16xf32>,
        %parallel_loop3A_138 = arith.constant 7 : i32
        %parallel_loop3A_139 = arith.index_cast %parallel_loop3A_138 : i32 to index
        %parallel_loop3A_140 = arith.index_cast %parallel_loop3A_83 : i32 to index
        %parallel_loop3A_141 = tpu.vector_load %arg9[%parallel_loop3A_139, %parallel_loop3A_140] {strides = array<i32>} : memref<8x2048xf32, #tpu.memory_space<vmem>>, vector<16xf32>,
        tpu.vector_store %arg9[%parallel_loop3A_139, %parallel_loop3A_140], %parallel_loop3A_137 {strides = array<i32>} : memref<8x2048xf32, #tpu.memory_space<vmem>>, vector<16xf32>,
      } {sc.loop_unroll_factor = 4 : i64, sc.parallel_access}
      %mul3A_67 = arith.constant 8 : i32
      %mul3A_68 = arith.muli %add3A_54, %mul3A_67 : i32
      %add3A_69 = arith.addi %mul3A_2, %mul3A_68 : i32
      %dma_start3A_70 = arith.constant 0 : i32
      %dma_start3A_71 = tpu.memref_slice %arg4[%add3A_69, %dma_start3A_70] : memref<16384x2048xf32, #tpu.memory_space<hbm>> -> memref<8x2048xf32, #tpu.memory_space<hbm>>
      %dma_start3A_72 = arith.constant 0 : i32
      %dma_start3A_73 = tpu.memref_slice %arg4[%add3A_69, %dma_start3A_72] : memref<16384x2048xf32, #tpu.memory_space<hbm>> -> memref<8x2048xf32, #tpu.memory_space<hbm>>
      tpu.enqueue_dma source(%arg9 : memref<8x2048xf32, #tpu.memory_space<vmem>>) target(%dma_start3A_73 : memref<8x2048xf32, #tpu.memory_space<hbm>>) target_semaphore(%arg13 : memref<!tpu.dma_semaphore, #tpu.memory_space<semaphore_mem>>)
      %add3A_74 = arith.constant 2 : i32
      %add3A_75 = arith.addi %add3A_54, %add3A_74 : i32
      %lt3A_76 = arith.constant 64 : i32
      %lt3A_77 = arith.cmpi slt, %add3A_75, %lt3A_76 : i32
      %convert_element_type3A_78 = arith.extui %lt3A_77 : i1 to i32
      %cond3A_79 = arith.constant 0 : i32
      %cond3A_80 = arith.cmpi ne, %convert_element_type3A_78, %cond3A_79 : i32
      scf.if %cond3A_80 {
        %add3A_81 = arith.constant 2 : i32
        %add3A_82 = arith.addi %add3A_54, %add3A_81 : i32
        %mul3A_83 = arith.constant 8 : i32
        %mul3A_84 = arith.muli %add3A_82, %mul3A_83 : i32
        %add3A_85 = arith.addi %mul3A_2, %mul3A_84 : i32
        %dma_start3A_86 = arith.constant 0 : i32
        %dma_start3A_87 = tpu.memref_slice %arg2[%add3A_85, %dma_start3A_86] : memref<16384x2048xf32, #tpu.memory_space<hbm>> -> memref<8x2048xf32, #tpu.memory_space<hbm>>
        %dma_start3A_88 = arith.constant 0 : i32
        %dma_start3A_89 = tpu.memref_slice %arg2[%add3A_85, %dma_start3A_88] : memref<16384x2048xf32, #tpu.memory_space<hbm>> -> memref<8x2048xf32, #tpu.memory_space<hbm>>
        tpu.enqueue_dma source(%dma_start3A_89 : memref<8x2048xf32, #tpu.memory_space<hbm>>) target(%arg7 : memref<8x2048xf32, #tpu.memory_space<vmem>>) target_semaphore(%arg11 : memref<!tpu.dma_semaphore, #tpu.memory_space<semaphore_mem>>)
      } else {
      }
    }
    %scan3A_17 = arith.constant 32 : i32
    %dma_wait3A = arith.constant 0 : i32
    %dma_wait3A_18 = tpu.memref_slice %arg4[%mul3A_2, %dma_wait3A] : memref<16384x2048xf32, #tpu.memory_space<hbm>> -> memref<8x2048xf32, #tpu.memory_space<hbm>>
    %dma_wait3A_19 = arith.constant 0 : i32
    %dma_wait3A_20 = tpu.memref_slice %arg4[%mul3A_2, %dma_wait3A_19] : memref<16384x2048xf32, #tpu.memory_space<hbm>> -> memref<8x2048xf32, #tpu.memory_space<hbm>>
    tpu.wait_dma2 semaphore(%arg12 : memref<!tpu.dma_semaphore, #tpu.memory_space<semaphore_mem>>) src(%arg8 : memref<8x2048xf32, #tpu.memory_space<vmem>>) dst(%dma_wait3A_20 : memref<8x2048xf32, #tpu.memory_space<hbm>>)
    %dma_wait3A_21 = arith.constant 0 : i32
    %dma_wait3A_22 = tpu.memref_slice %arg4[%mul3A_2, %dma_wait3A_21] : memref<16384x2048xf32, #tpu.memory_space<hbm>> -> memref<8x2048xf32, #tpu.memory_space<hbm>>
    %dma_wait3A_23 = arith.constant 0 : i32
    %dma_wait3A_24 = tpu.memref_slice %arg4[%mul3A_2, %dma_wait3A_23] : memref<16384x2048xf32, #tpu.memory_space<hbm>> -> memref<8x2048xf32, #tpu.memory_space<hbm>>
    tpu.wait_dma2 semaphore(%arg13 : memref<!tpu.dma_semaphore, #tpu.memory_space<semaphore_mem>>) src(%arg9 : memref<8x2048xf32, #tpu.memory_space<vmem>>) dst(%dma_wait3A_24 : memref<8x2048xf32, #tpu.memory_space<hbm>>)
    return
  }
}

</mosaic_0001>

<sc_bundles>
// kernel: kernel.3.cloned.1.call-start
scs
__scs_entry_jumppad:
0x0: {  	(pc) =	sbr.rel $0x88, $3  }
0x1: {  	(tag) =	ssettag $0x0;
	lr =	simm.s32 $0x1  }
0x2: {  	[smem:$0x3F9F] =	sst lr;
	_ =	strace $0xD0000000  }
0x3: {  	_ = 	snop  }
0x4: {  	_ = 	snop  }
0x5: {  	_ = 	snop  }
0x6: {  	_ = 	snop  }
0x7: {  	_ = 	snop  }
__scs_overlays_trampoline_lowered:
0x8: {  	[smem:$0x3FAE] =	sst s0  }
0x9: {  	[smem:$0x3FAF] =	sst s1  }
0xa: {  	[smem:$0x3FB0] =	sst s2  }
0xb: {  	[smem:$0x3FB1] =	sst s3  }
0xc: {  	[smem:$0x3FB2] =	sst s4  }
0xd: {  	[smem:$0x3FB3] =	sst s5  }
0xe: {  	[smem:$0x3FB4] =	sst s6  }
0xf: {  	[smem:$0x3FB5] =	sst s7  }
0x10: {  	[smem:$0x3FB6] =	sst s8  }
0x11: {  	[smem:$0x3FB7] =	sst s9;
	s0 =	simm.s32 @!p0 $0x0  }
0x12: {  	s1 =	sld [smem:$0x3F9D];
	s0 =	simm.s32 @p0 $0x1  }
0x13: {  	[smem:$0x3FB8] =	sst s0;
	s0 =	simm.s32 @!p1 $0x0  }
0x14: {  	s2 =	sld [smem:$0x3F9C];
	s0 =	simm.s32 @p1 $0x1  }
0x15: {  	[smem:$0x3FB9] =	sst s0;
	s0 =	simm.s32 @!p2 $0x0  }
0x16: {  	s3 =	sld [smem:$0x3FDB];
	s0 =	simm.s32 @p2 $0x1  }
0x17: {  	s4 =	simm.s32 $0x1BF5;
	[smem:$0x3FBB] =	sst s0  }
0x18: {  	s0 =	sld [smem:$0x3F9E];
	_ =	swait.ge [sflag:s4], $0x0  }
0x19: {  	s7 =	sld [smem:$0x3F9F]  }
0x1a: {  	s8 =	sadd.s32 $0xFFFFE003, lr  }
0x1b: {  	s9 =	sadd.s32 $0xFFFFFEF7, lr;
	s5 =	simm.s32 $0xFFFFFFFF;
	p2 =	slt.u32 s8, $0xFFFFF086  }
0x1c: {  	p1 =	slt.u32 s9, $0xF7A;
	s5 =	simm.s32 @!p2 $0x0  }
0x1d: {  	s5 =	simm.s32 @p1 $0x1;
	p0 =	seq.s32 s7, s2  }
0x1e: {  	s7 =	smul.u32 @!p0 $0xF7A, s2;
	p2 =	seq.s32 @!p0 s5, $0x0  }
0x1f: {  	s9 =	smul.u32 $0xF7A, s1;
	s8 =	simm.s32 @!p0 $0x1BF5;
	p2 =	por !p2, p0  }
0x20: {  	[sflag:s8] =	ssyncset.s32 @!p0 $0xFFFFF086;
	s6 =	sadd.s32 @!p0 s3, s7;
	s7 =	simm.s32 @!p0 $0x108  }
0x21: {  	s3 =	sadd.s32 s3, s9;
	s6 =	sadd.s32 @!p0 $0x88, s6;
	s7 =	simm.s32 @p2 $0x1082  }
0x22: {  	[simem:s7], [sflag:s8] =	dma.local @!p0 [hbm:s6], $0xF7A  }
0x23: {  	s9 =	sor.u32 $0xD0000000, s2;
	s6 =	simm.s32 $0x108;
	_ =	swait.ge @!p0 [sflag:s8], $0x0  }
0x24: {  	s3 =	sadd.s32 $0x88, s3;
	s6 =	simm.s32 @!p1 $0x1082;
	[sflag:s4] =	ssyncset.s32 $0xFFFFF086  }
0x25: {  	[simem:s6], [sflag:s4] =	dma.local [hbm:s3], $0xF7A  }
0x26: {  	[smem:$0x3F9F] =	sst s1;
	(tag) =	ssettag s2;
	_ =	strace s9  }
0x27: {  	s1 =	sld [smem:$0x3FAF]  }
0x28: {  	s2 =	sld [smem:$0x3FB0]  }
0x29: {  	s4 =	sld [smem:$0x3FB2]  }
0x2a: {  	p0 =	seq.s32 s5, $0x0;
	s5 =	sld [smem:$0x3FB3]  }
0x2b: {  	s6 =	sld [smem:$0x3FB4]  }
0x2c: {  	s7 =	sld [smem:$0x3FB5]  }
0x2d: {  	s3 =	simm.s32 $0x108;
	s8 =	sld [smem:$0x3FB6]  }
0x2e: {  	s3 =	simm.s32 @!p0 $0x1082;
	s9 =	sld [smem:$0x3FB7]  }
0x2f: {  	lr =	sadd.s32 s0, s3;
	s0 =	sld [smem:$0x3FAE]  }
0x30: {  	s3 =	sld [smem:$0x3FB1]  }
0x31: {  	[smem:$0x3FBA] =	sst s10  }
0x32: {  	s10 =	sld [smem:$0x3FB8];
	_ =	sdelay $0x3  }
0x33: {  	p0 =	seq.s32 s10, $0x1;
	s10 =	sld [smem:$0x3FBA];
	_ =	sdelay $0x3  }
0x34: {  	[smem:$0x3FBA] =	sst s10  }
0x35: {  	s10 =	sld [smem:$0x3FB9];
	_ =	sdelay $0x3  }
0x36: {  	p1 =	seq.s32 s10, $0x1;
	s10 =	sld [smem:$0x3FBA];
	_ =	sdelay $0x3  }
0x37: {  	[smem:$0x3FBA] =	sst s10  }
0x38: {  	s10 =	sld [smem:$0x3FBB]  }
0x39: {  	_ = 	snop;
	(pc) =	sbr.ind lr, $3  }
0x3a: {  	_ = 	snop  }
0x3b: {  	_ = 	snop  }
0x3c: {  	p2 =	seq.s32 s10, $0x1;
	s10 =	sld [smem:$0x3FBA]  }
0x3d: {  	_ =	shalt  }
0x3e: {  	_ =	shalt  }
0x3f: {  	_ =	shalt  }
0x40: {  	_ =	shalt  }
0x41: {  	_ =	shalt  }
0x42: {  	_ =	shalt  }
0x43: {  	_ =	shalt  }
0x44: {  	_ =	shalt  }
0x45: {  	_ =	shalt  }
0x46: {  	_ =	shalt  }
0x47: {  	_ =	shalt  }
0x48: {  	_ =	shalt  }
0x49: {  	_ =	shalt  }
0x4a: {  	_ =	shalt  }
0x4b: {  	_ =	shalt  }
0x4c: {  	_ =	shalt  }
0x4d: {  	_ =	shalt  }
0x4e: {  	_ =	shalt  }
0x4f: {  	_ =	shalt  }
0x50: {  	_ =	shalt  }
0x51: {  	_ =	shalt  }
0x52: {  	_ =	shalt  }
0x53: {  	_ =	shalt  }
0x54: {  	_ =	shalt  }
0x55: {  	_ =	shalt  }
0x56: {  	_ =	shalt  }
0x57: {  	_ =	shalt  }
0x58: {  	_ =	shalt  }
0x59: {  	_ =	shalt  }
0x5a: {  	_ =	shalt  }
0x5b: {  	_ =	shalt  }
0x5c: {  	_ =	shalt  }
0x5d: {  	_ =	shalt  }
0x5e: {  	_ =	shalt  }
0x5f: {  	_ =	shalt  }
0x60: {  	_ =	shalt  }
0x61: {  	_ =	shalt  }
0x62: {  	_ =	shalt  }
0x63: {  	_ =	shalt  }
0x64: {  	_ =	shalt  }
0x65: {  	_ =	shalt  }
0x66: {  	_ =	shalt  }
0x67: {  	_ =	shalt  }
0x68: {  	_ =	shalt  }
0x69: {  	_ =	shalt  }
0x6a: {  	_ =	shalt  }
0x6b: {  	_ =	shalt  }
0x6c: {  	_ =	shalt  }
0x6d: {  	_ =	shalt  }
0x6e: {  	_ =	shalt  }
0x6f: {  	_ =	shalt  }
0x70: {  	_ =	shalt  }
0x71: {  	_ =	shalt  }
0x72: {  	_ =	shalt  }
0x73: {  	_ =	shalt  }
0x74: {  	_ =	shalt  }
0x75: {  	_ =	shalt  }
0x76: {  	_ =	shalt  }
0x77: {  	_ =	shalt  }
0x78: {  	_ =	shalt  }
0x79: {  	_ =	shalt  }
0x7a: {  	_ =	shalt  }
0x7b: {  	_ =	shalt  }
0x7c: {  	_ =	shalt  }
0x7d: {  	_ =	shalt  }
0x7e: {  	_ =	shalt  }
0x7f: {  	_ =	shalt  }
0x80: {  	_ =	shalt  }
0x81: {  	_ =	shalt  }
0x82: {  	_ =	shalt  }
0x83: {  	_ =	shalt  }
0x84: {  	_ =	shalt  }
0x85: {  	_ =	shalt  }
0x86: {  	_ =	shalt  }
0x87: {  	_ =	shalt  }
.Lfunc_end0:
.L_simem_size_0:
called_computation_lowered:
.L_overlay_start_0:
0x88: {  	s2 =	sld [smem:$0x3FD9]  }
0x89: {  	s3 =	sld [smem:$0x3FFE];
	_ =	sdelay $0x1  }
0x8a: {  	s1 =	srdreg.scid  }
0x8b: {  	s0 =	sand.u32 $0x1, s1  }
0x8c: {  	s18 =	sshll.u32 s0, $0xA;
	s2 =	sadd.s32 s3, s2  }
0x8d: {  	s2 =	sadd.s32 s2, s18  }
0x8e: {  	[smem:$0x3FC6] =	sst s2  }
0x8f: {  	_ = 	snop  }
0x90: {  	s2 =	sld [smem:$0x3FC9]  }
0x91: {  	s19 =	sld [smem:$0x3FC8]  }
0x92: {  	s4 =	sld [smem:$0x3FD0];
	(tm) =	ssettm $0x1  }
0x93: {  	s5 =	sld [smem:$0x3FFB];
	_ =	sdelay $0x3  }
0x94: {  	_ =	strace s5  }
0x95: {  	s5 =	sld [smem:$0x3FFC];
	_ =	sdelay $0x3  }
0x96: {  	_ =	strace s5  }
0x97: {  	s5 =	sld [smem:$0x3FFD];
	_ =	sdelay $0x3  }
0x98: {  	_ =	strace s5  }
0x99: {  	_ =	strace $0x8FFFFFFF  }
0x9a: {  	s20 =	sld [smem:$0x3FDB];
	_ =	sdelay $0x1  }
0x9b: {  	s6 =	simm.s32 $_scs_section_size  }
0x9c: {  	s7 =	simm.s32 $_size__tile_overlayer_lowered;
	s8 =	simm.s32 $_tile_overlayer_lowered  }
0x9d: {  	s23 =	simm.s32 $0x1BFF;
	s22 =	sshll.u32 s8, $0x1;
	s5 =	sadd.s32 s6, s20  }
0x9e: {  	s9 =	simm.s32 $0x0;
	s21 =	sshll.u32 s7, $0x1;
	s7 =	sadd.s32 s22, s5  }
0x9f: {  	[timem:s9], [sflag:s23] =	dma.local [hbm:s7], s21  }
0xa0: {  	_ =	swait.ge [sflag:s23], s21  }
0xa1: {  	s6 =	ssub.s32 $0x0, s21;
	[sflag:s23] =	ssyncset.done $0x0  }
0xa2: {  	[sflag:s23] =	ssyncadd.s32 s6;
	_ =	sdelay $0x1  }
0xa3: {  	s24 =	simm.s32 $0x1B8B  }
0xa4: {  	_ =	swait.ge [sflag:s24], $0x1  }
0xa5: {  	[sflag:s24] =	ssyncset.done $0x0  }
0xa6: {  	s25 =	simm.s32 $0x1B8E;
	[sflag:s24] =	ssyncadd.s32 $0xFFFFFFFF  }
0xa7: {  	s26 =	simm.s32 $execute0_lowered;
	[smem:$0x3FD2] =	sst s25  }
0xa8: {  	s6 =	sshll.u32 s26, $0x1;
	_ =	strace $0x80000046;
	[dreg:$0x1] =	wrdreg $0xFFFFFFFF  }
0xa9: {  	s28 =	simm.s32 $_size_execute0_lowered;
	s5 =	sadd.s32 s5, s6;
	[dreg:$0x0] =	wrdreg $0x0  }
0xaa: {  	s6 =	sshll.u32 s28, $0x1;
	[dreg:$0x2] =	wrdreg s5  }
0xab: {  	[dreg:$0x3] =	wrdreg s6  }
0xac: {  	[dreg:$0x4] =	wrdreg $0xC0  }
0xad: {  	_ =	task [dreg:s9], $0x5FFFF  }
0xae: {  	[dreg:$0x1] =	wrdreg $0xFFFFFFFF  }
0xaf: {  	[dreg:$0x0] =	wrdreg $0x60  }
0xb0: {  	[dreg:$0x2] =	wrdreg s2  }
0xb1: {  	[dreg:$0x3] =	wrdreg s19  }
0xb2: {  	[dreg:$0x4] =	wrdreg s4  }
0xb3: {  	[dreg:$0x5] =	wrdreg $0x9  }
0xb4: {  	_ =	task.clear_ibuf [dreg:s9], $0x6FFFF;
	_ =	strace $0x90000046  }
0xb5: {  	s29 =	simm.s32 $0x9;
	_ =	strace $0x80000048  }
0xb6: {  	_ =	swait.ge [sflag:s29], $0x1  }
0xb7: {  	[sflag:s29] =	ssyncadd.s32 $0xFFFFFFFF  }
0xb8: {  	_ =	strace $0x90000048  }
0xb9: {  	_ =	sfence  }
0xba: {  	s30 =	sld [smem:$0x0];
	_ =	sdelay $0x2  }
0xbb: {  	s31 =	sshll.u32 s1, $0xD;
	s1 =	sshrl.u32 s1, $0x2  }
0xbc: {  	s3 =	sand.u32 $0x4000, s31;
	s1 =	sadd.s32 s1, s30  }
0xbd: {  	s0 =	sor.u32 s3, s0;
	s1 =	sshll.u32 s1, $0x11  }
0xbe: {  	s0 =	sor.u32 s1, s0  }
0xbf: {  	s0 =	sadd.s32 $0x8F2B, s0  }
0xc0: {  	[sflag:s0] =	ssyncadd.remote.s32 $0x1  }
0xc1: {  	_ =	sfence.sel $0xFFFF  }
0xc2: {  	[dreg:$0x0] =	wrdreg $0xFFFFFFFF;
	(pc) =	sbr.abs _section_cstart, $3  }
0xc3: {  	[dreg:$0x1] =	wrdreg $0xFFFFFFFF  }
0xc4: {  	_ =	task.clear_ibuf [dreg:s9], $0x2FFFF;
	_ =	strace $0x9FFFFFFF  }
0xc5: {  	(tm) =	ssettm $0x7FFFFFFF  }
tec
execute0_lowered:
.L_overlay_start_1:
0x0: {  	(tag) =	ssettag $0x1  }
0x1: {  	s0 =	srdreg.scid  }
0x2: {  	s2 =	stileid.u32;
	s0 =	sand.u32 $0x1, s0  }
0x3: {  	s6 =	rddreg [dreg:$0x0];
	s2 =	sshll.u32 s2, $0xA;
	s3 =	sshll.u32 s0, $0x9  }
0x4: {  	s1 =	rddreg [dreg:$0x2];
	s4 =	simm.s32 $0x0;
	s2 =	sor.u32 s3, s2  }
0x5: {  	[smem:$0x7FF] =	sst s4;
	s0 =	ssub.s32 $0x2, s0;
	s3 =	sshll.u32 s2, $0x8  }
0x6: {  	_ =	strace $0x80000047;
	s2 =	sshrl.u32 s2, $0x3;
	s6 =	sadd.s32 s6, s3  }
0x7: {  	s5 =	sshrl.u32 s0, $0x1;
	s30 =	sor.u32 $0x2, s2;
	[dreg:$0x4] =	wrdreg s6  }
0x8: {  	s0 =	ssub.s32 s0, s5;
	s2 =	sor.u32 $0x3, s2;
	[dreg:$0x7] =	wrdreg s30  }
.Ltmp0:
0x9: {  	s0 =	smax.u32 s0, $0x1;
	[dreg:$0x8] =	wrdreg s2;
	(pc) =	sbr.rel .LBB2_1-.Ltmp0, $4  }
0xa: {  	s13 =	simm.s32 $0x800;
	s1 =	sadd.s32 s1, s3;
	[dreg:$0x9] =	wrdreg s0  }
0xb: {  	s14 =	simm.s32 $0x4800;
	s29 =	sadd.s32 $0x800, s6;
	[dreg:$0x6] =	wrdreg s1  }
0xc: {  	s15 =	simm.s32 $0x1;
	s31 =	sadd.s32 $0x800, s1;
	[dreg:$0x5] =	wrdreg s29  }
0xd: {  	s17 =	simm.s32 $0x2;
	s2 =	simm.s32 $0x0;
	[dreg:$0xa] =	wrdreg s31  }
.LBB2_12:
0xe: {  	s0 =	simm.s32 $0x3  }
0xf: {  	_ =	swait.ge [sflag:s0], $0x4000  }
0x10: {  	[sflag:s0] =	ssyncset.done $0x0  }
0x11: {  	s1 =	simm.s32 $0x4;
	[sflag:s0] =	ssyncadd.s32 $0xFFFFC000  }
0x12: {  	_ =	swait.ge [sflag:s1], $0x4000  }
0x13: {  	s2 =	rddreg [dreg:$0xb]  }
0x14: {  	s31 =	rddreg [dreg:$0x9];
	s2 =	sadd.s32 $0x1, s2  }
0x15: {  	p0 =	sne.s32 s2, s31  }
.Ltmp1:
0x16: {  	_ = 	snop;
	(pc) =	sbr.rel @!p0 .LBB2_13-.Ltmp1, $3  }
0x17: {  	_ =	sdelay $0x1  }
0x18: {  	[sflag:s1] =	ssyncset.done $0x0  }
0x19: {  	[sflag:s1] =	ssyncadd.s32 $0xFFFFC000  }
.LBB2_1:
0x1a: {  	[dreg:$0xb] =	wrdreg s2  }
0x1b: {  	s0 =	rddreg [dreg:$0x1];
	s29 =	simm.s32 $0x5  }
0x1c: {  	[tilespmem:s4], [sflag:$0x5] =	stream.linear.gather [hbm4b:s0+s4], $0x800, $0x38;
	[tilespmem:$0x10800] =	vst v63  }
0x1d: {  	_ =	swait.ge [sflag:s29], $0x800  }
0x1e: {  	[sflag:s29] =	ssyncset.done $0x0  }
0x1f: {  	s30 =	rddreg [dreg:$0x4];
	[sflag:s29] =	ssyncadd.s32 $0xFFFFF800  }
0x20: {  	[tilespmem:s13], [sflag:$0x1] =	stream.linear.gather [hbm4b:s30+s4], $0x4000, $0x38;
	[tilespmem:$0x10800] =	vst v63  }
0x21: {  	s22 =	simm.s32 $0x0;
	s31 =	rddreg [dreg:$0x5]  }
0x22: {  	[tilespmem:s14], [sflag:$0x2] =	stream.linear.gather [hbm4b:s31+s4], $0x4000, $0x38;
	[tilespmem:$0x10800] =	vst v63  }
.LBB2_2:
0x23: {  	_ =	swait.ge [sflag:s15], $0x4000  }
0x24: {  	p0 =	seq.s32 s22, $0x0;
	[sflag:s15] =	ssyncset.done $0x0  }
0x25: {  	s1 =	simm.s32 $0x0;
	s0 =	simm.s32 @!p0 $0x3;
	[sflag:s15] =	ssyncadd.s32 $0xFFFFC000  }
0x26: {  	s2 =	sand.u32 $0x40, s1;
	_ =	swait.ge @!p0 [sflag:s0], $0x4000  }
0x27: {  	s3 =	sand.u32 $0x780, s1;
	s5 =	sor.u32 $0x30, s2;
	[sflag:s0] =	ssyncset.done @!p0 $0x0  }
0x28: {  	s23 =	sor.u32 s5, s3;
	[sflag:s0] =	ssyncadd.s32 @!p0 $0xFFFFC000  }
0x29: {  	v0 =	vld [tilespmem:s23+$0x0]  }
0x2a: {  	s24 =	sor.u32 $0x10, s2;
	v1 =	vld [tilespmem:s1+$0x0]  }
0x2b: {  	s6 =	sor.u32 $0x20, s2;
	s7 =	sor.u32 s24, s3  }
0x2c: {  	s3 =	sor.u32 s6, s3;
	v2 =	vld [tilespmem:s7+$0x0]  }
0x2d: {  	v3 =	vld [tilespmem:s3+$0x0]  }
0x2e: {  	v4 =	vshll.u32 v0, $0x3  }
0x2f: {  	v5 =	vshll.u32 v1, $0x3;
	v0 =	vand.u32 $0x7F, v0;
	v4 =	vand.u32 $0xFFFFFC00, v4  }
0x30: {  	v1 =	vand.u32 $0x7F, v1;
	v6 =	vand.u32 $0xFFFFFC00, v5;
	v5 =	vor.u32 v0, v4  }
0x31: {  	v0 =	vor.u32 v1, v6;
	v1 =	vshll.u32 v2, $0x3  }
0x32: {  	v4 =	vshll.u32 v3, $0x3;
	v2 =	vand.u32 $0x7F, v2;
	v1 =	vand.u32 $0xFFFFFC00, v1  }
0x33: {  	v6 =	vand.u32 $0xFFFFFC00, v4;
	v4 =	vor.u32 v2, v1;
	v1 =	vand.u32 $0x7F, v3  }
0x34: {  	v3 =	vor.u32 v1, v6  }
0x35: {  	v1 =	vld.idx.msk [tilespmem:v5+s13+$0x0], $0xffff  }
0x36: {  	v6 =	vor.u32 $0x80, v5;
	v2 =	vld.idx.msk [tilespmem:v0+s13+$0x0], $0xffff  }
0x37: {  	s1 =	sand.u32 $0x3C00, s1;
	v7 =	vor.u32 $0x80, v0  }
0x38: {  	s1 =	sadd.s32 $0x8800, s1;
	v8 =	vld.idx.msk [tilespmem:v4+s13+$0x0], $0xffff  }
0x39: {  	s25 =	sor.u32 s5, s1;
	v9 =	vor.u32 $0x80, v4;
	v10 =	vld.idx.msk [tilespmem:v3+s13+$0x0], $0xffff  }
0x3a: {  	s26 =	sor.u32 s2, s1;
	v11 =	vor.u32 $0x80, v3;
	[tilespmem:s25+$0x0] =	vst v1  }
0x3b: {  	[tilespmem:s26+$0x0] =	vst v2;
	v1 =	vld.idx.msk [tilespmem:v6+s13+$0x0], $0xffff  }
0x3c: {  	s8 =	sor.u32 s24, s1;
	v2 =	vld.idx.msk [tilespmem:v7+s13+$0x0], $0xffff;
	v6 =	vor.u32 $0x100, v5  }
0x3d: {  	s1 =	sor.u32 s6, s1;
	v7 =	vor.u32 $0x100, v0;
	[tilespmem:s8+$0x0] =	vst v8  }
0x3e: {  	v8 =	vld.idx.msk [tilespmem:v9+s13+$0x0], $0xffff;
	[tilespmem:s1+$0x0] =	vst v10  }
0x3f: {  	v9 =	vor.u32 $0x100, v4;
	v10 =	vld.idx.msk [tilespmem:v11+s13+$0x0], $0xffff  }
0x40: {  	v11 =	vor.u32 $0x100, v3;
	[tilespmem:s25+$0x80] =	vst v1  }
0x41: {  	[tilespmem:s26+$0x80] =	vst v2;
	v1 =	vld.idx.msk [tilespmem:v6+s13+$0x0], $0xffff  }
0x42: {  	v2 =	vld.idx.msk [tilespmem:v7+s13+$0x0], $0xffff;
	v6 =	vor.u32 $0x180, v5  }
0x43: {  	v7 =	vor.u32 $0x180, v0;
	[tilespmem:s8+$0x80] =	vst v8  }
0x44: {  	v8 =	vld.idx.msk [tilespmem:v9+s13+$0x0], $0xffff;
	[tilespmem:s1+$0x80] =	vst v10  }
0x45: {  	s24 =	simm.s32 $0x40;
	v9 =	vor.u32 $0x180, v4;
	v10 =	vld.idx.msk [tilespmem:v11+s13+$0x0], $0xffff  }
0x46: {  	s0 =	sand.u32 $0x40, s24;
	v11 =	vld [tilespmem:s24+$0x0];
	[tilespmem:s25+$0x100] =	vst v1  }
0x47: {  	s9 =	sand.u32 $0x780, s24;
	s2 =	sor.u32 $0x30, s0;
	[tilespmem:s26+$0x100] =	vst v2;
	v1 =	vld.idx.msk [tilespmem:v6+s13+$0x0], $0xffff  }
0x48: {  	s12 =	sor.u32 s2, s9;
	v2 =	vor.u32 $0x180, v3;
	v6 =	vld.idx.msk [tilespmem:v7+s13+$0x0], $0xffff  }
0x49: {  	s16 =	sor.u32 $0x10, s0;
	v7 =	vor.u32 $0x200, v5;
	[tilespmem:s8+$0x100] =	vst v8;
	v8 =	vld [tilespmem:s12+$0x0]  }
0x4a: {  	s18 =	sor.u32 $0x20, s0;
	s10 =	sor.u32 s16, s9;
	v9 =	vld.idx.msk [tilespmem:v9+s13+$0x0], $0xffff  }
0x4b: {  	s9 =	sor.u32 s18, s9;
	v13 =	vld [tilespmem:s10+$0x0];
	v12 =	vor.u32 $0x200, v4;
	v14 =	vshll.u32 v11, $0x3  }
0x4c: {  	v15 =	vld [tilespmem:s9+$0x0];
	[tilespmem:s1+$0x100] =	vst v10;
	v10 =	vor.u32 $0x200, v0;
	v11 =	vand.u32 $0x7F, v11;
	v14 =	vand.u32 $0xFFFFFC00, v14  }
0x4d: {  	p1 =	por $0x0, $0x0;
	s7 =	simm.s32 $0x1;
	v16 =	vld.idx.msk [tilespmem:v2+s13+$0x0], $0xffff;
	[tilespmem:s25+$0x180] =	vst v1;
	v1 =	vor.u32 v11, v14  }
0x4e: {  	s7 =	simm.s32 @!p1 $0x0;
	v11 =	vor.u32 $0x200, v3;
	v7 =	vld.idx.msk [tilespmem:v7+s13+$0x0], $0xffff;
	v2 =	vshll.u32 v8, $0x3  }
0x4f: {  	s7 =	sshll.u32 s7, $0x6;
	v8 =	vand.u32 $0x7F, v8;
	[tilespmem:s8+$0x180] =	vst v9;
	v2 =	vand.u32 $0xFFFFFC00, v2;
	v9 =	vor.u32 $0x280, v5  }
0x50: {  	v14 =	vor.u32 $0x280, v4;
	[tilespmem:s26+$0x180] =	vst v6;
	s8 =	sadd.s32 $0x0, s7;
	v6 =	vld.idx.msk [tilespmem:v12+s13+$0x0], $0xffff;
	v12 =	vshll.u32 v13, $0x3;
	v2 =	vor.u32 v8, v2  }
0x51: {  	v8 =	vld.idx.msk [tilespmem:v10+s13+$0x0], $0xffff;
	v10 =	vshll.u32 v15, $0x3;
	v13 =	vand.u32 $0x7F, v13;
	s12 =	sadd.s32 $0x30, s8;
	v12 =	vand.u32 $0xFFFFFC00, v12  }
0x52: {  	v10 =	vand.u32 $0xFFFFFC00, v10;
	[tilespmem:s1+$0x180] =	vst v16;
	s19 =	sor.u32 $0x200, s12;
	v17 =	vld.idx.msk [tilespmem:v1+s13+$0x0], $0xffff;
	v21 =	vor.u32 v13, v12;
	v12 =	vand.u32 $0x7F, v15  }
0x53: {  	s1 =	sadd.s32 $0x10, s8;
	v11 =	vld.idx.msk [tilespmem:v11+s13+$0x0], $0xffff;
	v10 =	vor.u32 v12, v10;
	[tilespmem:s19+$0x8800] =	vst v7  }
0x54: {  	s20 =	sor.u32 $0x200, s1;
	v7 =	vor.u32 $0x280, v0;
	v9 =	vld.idx.msk [tilespmem:v9+s13+$0x0], $0xffff  }
0x55: {  	s25 =	simm.s32 $0x200;
	s21 =	sor.u32 $0x200, s8;
	v12 =	vor.u32 $0x280, v3;
	v13 =	vld.idx.msk [tilespmem:v2+s13+$0x0], $0xffff;
	[tilespmem:s20+$0x8800] =	vst v6  }
0x56: {  	s26 =	sand.u32 $0x3C00, s25;
	s9 =	sadd.s32 $0x20, s8;
	[tilespmem:s21+$0x8800] =	vst v8;
	v8 =	vor.u32 $0x80, v1;
	v6 =	vld.idx.msk [tilespmem:v14+s13+$0x0], $0xffff  }
0x57: {  	s11 =	sadd.s32 $0x8800, s26;
	s23 =	sor.u32 $0x200, s9;
	v14 =	vor.u32 $0x300, v5;
	v15 =	vld.idx.msk [tilespmem:v21+s13+$0x0], $0xffff  }
0x58: {  	s3 =	sor.u32 s0, s11;
	v16 =	vor.u32 $0x80, v2;
	[tilespmem:s23+$0x8800] =	vst v11;
	v18 =	vld.idx.msk [tilespmem:v10+s13+$0x0], $0xffff  }
0x59: {  	s10 =	sor.u32 $0x280, s12;
	v19 =	vor.u32 $0x80, v21;
	[tilespmem:s3+$0x0] =	vst v17;
	v22 =	vld.idx.msk [tilespmem:v7+s13+$0x0], $0xffff  }
0x5a: {  	s5 =	sor.u32 s2, s11;
	v7 =	vor.u32 $0x80, v10;
	v11 =	vld.idx.msk [tilespmem:v12+s13+$0x0], $0xffff;
	[tilespmem:s10+$0x8800] =	vst v9  }
0x5b: {  	s30 =	sor.u32 s18, s11;
	v9 =	vor.u32 $0x300, v4;
	s10 =	sor.u32 s16, s11;
	s11 =	sor.u32 $0x280, s1;
	[tilespmem:s5+$0x0] =	vst v13;
	v8 =	vld.idx.msk [tilespmem:v8+s13+$0x0], $0xffff  }
0x5c: {  	v13 =	vor.u32 $0x300, v3;
	v12 =	vld.idx.msk [tilespmem:v14+s13+$0x0], $0xffff;
	[tilespmem:s11+$0x8800] =	vst v6  }
0x5d: {  	v5 =	vor.u32 $0x380, v5;
	v16 =	vld.idx.msk [tilespmem:v16+s13+$0x0], $0xffff;
	[tilespmem:s10+$0x0] =	vst v15  }
0x5e: {  	v17 =	vor.u32 $0x100, v2;
	s16 =	sor.u32 $0x280, s9;
	v15 =	vld.idx.msk [tilespmem:v19+s13+$0x0], $0xffff;
	[tilespmem:s30+$0x0] =	vst v18  }
0x5f: {  	s19 =	sor.u32 $0x280, s8;
	v19 =	vor.u32 $0x100, v1;
	[tilespmem:s16+$0x8800] =	vst v11;
	v7 =	vld.idx.msk [tilespmem:v7+s13+$0x0], $0xffff  }
0x60: {  	s18 =	sor.u32 $0x300, s12;
	v6 =	vor.u32 $0x100, v21;
	[tilespmem:s19+$0x8800] =	vst v22;
	v23 =	vld.idx.msk [tilespmem:v9+s13+$0x0], $0xffff  }
0x61: {  	v20 =	vor.u32 $0x100, v10;
	v14 =	vld.idx.msk [tilespmem:v13+s13+$0x0], $0xffff;
	[tilespmem:s18+$0x8800] =	vst v12  }
0x62: {  	[tilespmem:s5+$0x80] =	vst v16;
	v16 =	vor.u32 $0x300, v0;
	v24 =	vld.idx.msk [tilespmem:v5+s13+$0x0], $0xffff  }
0x63: {  	v25 =	vor.u32 $0x380, v4;
	[tilespmem:s3+$0x80] =	vst v8;
	v18 =	vld.idx.msk [tilespmem:v17+s13+$0x0], $0xffff  }
0x64: {  	v4 =	vor.u32 $0x380, v21;
	v17 =	vld.idx.msk [tilespmem:v19+s13+$0x0], $0xffff;
	[tilespmem:s10+$0x80] =	vst v15  }
0x65: {  	s29 =	simm.s32 $0x4;
	v11 =	vor.u32 $0x200, v21;
	v22 =	vor.u32 $0x180, v2;
	v13 =	vor.u32 $0x180, v21;
	v19 =	vld.idx.msk [tilespmem:v6+s13+$0x0], $0xffff;
	[tilespmem:s30+$0x80] =	vst v7  }
0x66: {  	s31 =	simm.s32 $0x80;
	s0 =	sor.u32 $0x300, s8;
	s20 =	sor.u32 $0x300, s1;
	v8 =	vor.u32 $0x280, v21;
	v6 =	vor.u32 $0x300, v21;
	v21 =	vor.u32 $0x180, v1;
	v20 =	vld.idx.msk [tilespmem:v20+s13+$0x0], $0xffff  }
0x67: {  	s26 =	sor.u32 $0x380, s8;
	s6 =	sor.u32 $0x300, s9;
	s21 =	sor.u32 $0x380, s12;
	v3 =	vor.u32 $0x380, v3;
	v9 =	vor.u32 $0x200, v10;
	v12 =	vor.u32 $0x180, v10;
	[tilespmem:s20+$0x8800] =	vst v23;
	v15 =	vld.idx.msk [tilespmem:v16+s13+$0x0], $0xffff  }
0x68: {  	s28 =	sor.u32 $0x380, s9;
	s2 =	sor.u32 $0x380, s1;
	s23 =	sshll.u32 s22, $0x1;
	v5 =	vor.u32 $0x300, v10;
	v7 =	vor.u32 $0x280, v10;
	v10 =	vor.u32 $0x380, v10;
	v16 =	vld.idx.msk [tilespmem:v25+s13+$0x0], $0xffff;
	[tilespmem:s21+$0x8800] =	vst v24  }
.LBB2_3:
0x69: {  	v23 =	vld [tilespmem:s31+$0x0];
	[tilespmem:s5+$0x100] =	vst v18;
	s24 =	sadd.s32 $0x40, s24  }
0x6a: {  	s29 =	sadd.s32 $0x4, s29;
	s12 =	sand.u32 $0x40, s24;
	[tilespmem:s3+$0x100] =	vst v17;
	v17 =	vld.idx.msk [tilespmem:v22+s13+$0x0], $0xffff  }
0x6b: {  	s1 =	sand.u32 $0x780, s24;
	p2 =	slt.u32 s29, $0x7C;
	s20 =	sor.u32 $0x30, s12;
	v18 =	vld.idx.msk [tilespmem:v21+s13+$0x0], $0xffff;
	[tilespmem:s10+$0x100] =	vst v19  }
0x6c: {  	s8 =	sor.u32 $0x10, s12;
	s21 =	sor.u32 $0x20, s12;
	v19 =	vor.u32 $0x200, v2;
	s7 =	sor.u32 s20, s1;
	v13 =	vld.idx.msk [tilespmem:v13+s13+$0x0], $0xffff;
	[tilespmem:s30+$0x100] =	vst v20  }
0x6d: {  	v21 =	vor.u32 $0x200, v1;
	s9 =	sor.u32 s8, s1;
	s1 =	sor.u32 s21, s1;
	v20 =	vld [tilespmem:s7+$0x0];
	[tilespmem:s6+$0x8800] =	vst v14  }
0x6e: {  	v14 =	vld [tilespmem:s9+$0x0];
	[tilespmem:s0+$0x8800] =	vst v15  }
0x6f: {  	v15 =	vshll.u32 v23, $0x3;
	v22 =	vld [tilespmem:s1+$0x0];
	[tilespmem:s2+$0x8800] =	vst v16  }
0x70: {  	v16 =	vand.u32 $0x7F, v23;
	v15 =	vand.u32 $0xFFFFFC00, v15;
	v12 =	vld.idx.msk [tilespmem:v12+s13+$0x0], $0xffff;
	[tilespmem:s5+$0x180] =	vst v17;
	v17 =	vor.u32 $0x380, v0;
	v0 =	vmovc v1  }
0x71: {  	p1 =	por !p1, !p1;
	s0 =	simm.s32 $0x1;
	v1 =	vor.u32 v16, v15;
	[tilespmem:s3+$0x180] =	vst v18;
	v15 =	vld.idx.msk [tilespmem:v19+s13+$0x0], $0xffff  }
0x72: {  	s0 =	simm.s32 @!p1 $0x0;
	v16 =	vshll.u32 v20, $0x3;
	v18 =	vld.idx.msk [tilespmem:v21+s13+$0x0], $0xffff;
	[tilespmem:s10+$0x180] =	vst v13  }
0x73: {  	s0 =	sshll.u32 s0, $0x6;
	v13 =	vand.u32 $0x7F, v20;
	v16 =	vand.u32 $0xFFFFFC00, v16;
	v19 =	vld.idx.msk [tilespmem:v11+s13+$0x0], $0xffff;
	v11 =	vor.u32 $0x280, v2  }
0x74: {  	s3 =	sadd.s32 s0, s25;
	v20 =	vshll.u32 v14, $0x3;
	v21 =	vshll.u32 v22, $0x3;
	v16 =	vor.u32 v13, v16;
	v23 =	vld.idx.msk [tilespmem:v3+s13+$0x0], $0xffff;
	v3 =	vmovc v10  }
0x75: {  	s2 =	sadd.s32 $0x10, s3;
	s5 =	sadd.s32 $0x20, s3;
	s16 =	sadd.s32 $0x30, s3;
	v10 =	vand.u32 $0x7F, v14;
	v13 =	vand.u32 $0xFFFFFC00, v20;
	v14 =	vand.u32 $0xFFFFFC00, v21;
	v17 =	vld.idx.msk [tilespmem:v17+s13+$0x0], $0xffff  }
0x76: {  	s10 =	sor.u32 $0x200, s2;
	s11 =	sor.u32 $0x200, s5;
	s0 =	sor.u32 $0x200, s16;
	v10 =	vor.u32 v10, v13;
	v13 =	vand.u32 $0x7F, v22;
	v21 =	vor.u32 $0x280, v0;
	v20 =	vld.idx.msk [tilespmem:v1+s13+$0x0], $0xffff;
	[tilespmem:s30+$0x180] =	vst v12  }
0x77: {  	s1 =	sor.u32 $0x200, s3;
	s7 =	sor.u32 $0x280, s2;
	s9 =	sor.u32 $0x280, s5;
	v22 =	vor.u32 $0x80, v10;
	v24 =	vor.u32 $0x100, v10;
	v14 =	vor.u32 v13, v14;
	v25 =	vld.idx.msk [tilespmem:v9+s13+$0x0], $0xffff;
	[tilespmem:s0+$0x8800] =	vst v15  }
0x78: {  	s19 =	sor.u32 $0x300, s2;
	s6 =	sor.u32 $0x300, s5;
	v13 =	vor.u32 $0x180, v10;
	v15 =	vor.u32 $0x80, v14;
	v26 =	vor.u32 $0x100, v14;
	[tilespmem:s1+$0x8800] =	vst v18;
	s1 =	sor.u32 $0x280, s3;
	v18 =	vld.idx.msk [tilespmem:v11+s13+$0x0], $0xffff  }
0x79: {  	s2 =	sor.u32 $0x380, s2;
	s5 =	sor.u32 $0x380, s5;
	v12 =	vor.u32 $0x180, v14;
	v9 =	vor.u32 $0x200, v14;
	s0 =	sor.u32 $0x300, s3;
	v11 =	vor.u32 $0x200, v10;
	v27 =	vld.idx.msk [tilespmem:v16+s13+$0x0], $0xffff;
	[tilespmem:s10+$0x8800] =	vst v19  }
0x7a: {  	v29 =	vor.u32 $0x300, v2;
	s3 =	sor.u32 $0x380, s3;
	v19 =	vor.u32 $0x280, v14;
	v28 =	vld.idx.msk [tilespmem:v8+s13+$0x0], $0xffff;
	v8 =	vor.u32 $0x280, v10;
	[tilespmem:s28+$0x8800] =	vst v23;
	s28 =	smov.u32 s5  }
0x7b: {  	s25 =	sadd.s32 $0x200, s25;
	v32 =	vor.u32 $0x80, v16;
	v30 =	vor.u32 $0x300, v10;
	v31 =	vor.u32 $0x300, v14;
	v23 =	vld.idx.msk [tilespmem:v10+s13+$0x0], $0xffff;
	[tilespmem:s26+$0x8800] =	vst v17;
	s26 =	smov.u32 s3  }
0x7c: {  	v33 =	vor.u32 $0x380, v10;
	s3 =	sand.u32 $0x3C00, s25;
	v17 =	vor.u32 $0x80, v1;
	v10 =	vor.u32 $0x380, v14;
	v34 =	vld.idx.msk [tilespmem:v14+s13+$0x0], $0xffff  }
0x7d: {  	s30 =	sadd.s32 $0x8800, s3;
	v35 =	vld.idx.msk [tilespmem:v21+s13+$0x0], $0xffff;
	[tilespmem:s11+$0x8800] =	vst v25;
	s11 =	sor.u32 $0x280, s16  }
0x7e: {  	s3 =	sor.u32 s12, s30;
	s10 =	sor.u32 s8, s30;
	s5 =	sor.u32 s20, s30;
	v14 =	vld.idx.msk [tilespmem:v7+s13+$0x0], $0xffff;
	[tilespmem:s11+$0x8800] =	vst v18;
	v7 =	vmov v19  }
0x7f: {  	s30 =	sor.u32 s21, s30;
	[tilespmem:s5+$0x0] =	vst v27;
	v18 =	vld.idx.msk [tilespmem:v29+s13+$0x0], $0xffff  }
0x80: {  	[tilespmem:s3+$0x0] =	vst v20;
	v19 =	vld.idx.msk [tilespmem:v32+s13+$0x0], $0xffff  }
0x81: {  	v20 =	vor.u32 $0x380, v2;
	v2 =	vmov v16;
	v17 =	vld.idx.msk [tilespmem:v17+s13+$0x0], $0xffff;
	[tilespmem:s10+$0x0] =	vst v23  }
0x82: {  	v21 =	vor.u32 $0x100, v2;
	v16 =	vld.idx.msk [tilespmem:v22+s13+$0x0], $0xffff;
	[tilespmem:s30+$0x0] =	vst v34  }
0x83: {  	v22 =	vor.u32 $0x100, v1;
	v15 =	vld.idx.msk [tilespmem:v15+s13+$0x0], $0xffff;
	[tilespmem:s7+$0x8800] =	vst v28  }
0x84: {  	s7 =	sor.u32 $0x300, s16;
	v23 =	vld.idx.msk [tilespmem:v6+s13+$0x0], $0xffff;
	[tilespmem:s9+$0x8800] =	vst v14;
	v6 =	vmov v30  }
0x85: {  	v14 =	vld.idx.msk [tilespmem:v5+s13+$0x0], $0xffff;
	[tilespmem:s7+$0x8800] =	vst v18;
	v5 =	vmov v31  }
0x86: {  	v25 =	vor.u32 $0x300, v0;
	[tilespmem:s5+$0x80] =	vst v19;
	v27 =	vld.idx.msk [tilespmem:v20+s13+$0x0], $0xffff  }
0x87: {  	[tilespmem:s3+$0x80] =	vst v17;
	v18 =	vld.idx.msk [tilespmem:v21+s13+$0x0], $0xffff  }
.Ltmp2:
0x88: {  	v17 =	vld.idx.msk [tilespmem:v22+s13+$0x0], $0xffff;
	[tilespmem:s10+$0x80] =	vst v16;
	(pc) =	sbr.rel @p2 .LBB2_3-.Ltmp2, $4  }
0x89: {  	v22 =	vor.u32 $0x180, v2;
	v19 =	vld.idx.msk [tilespmem:v24+s13+$0x0], $0xffff;
	[tilespmem:s30+$0x80] =	vst v15  }
0x8a: {  	v21 =	vor.u32 $0x180, v1;
	v20 =	vld.idx.msk [tilespmem:v26+s13+$0x0], $0xffff;
	[tilespmem:s1+$0x8800] =	vst v35  }
0x8b: {  	s1 =	sor.u32 $0x380, s16;
	v15 =	vld.idx.msk [tilespmem:v25+s13+$0x0], $0xffff;
	[tilespmem:s19+$0x8800] =	vst v23  }
0x8c: {  	s31 =	sadd.s32 $0x40, s31;
	v16 =	vld.idx.msk [tilespmem:v4+s13+$0x0], $0xffff;
	[tilespmem:s1+$0x8800] =	vst v27;
	v4 =	vmov v33  }
0x8d: {  	_ =	sdelay $0x2  }
0x8e: {  	[tilespmem:s5+$0x100] =	vst v18  }
0x8f: {  	[tilespmem:s3+$0x100] =	vst v17;
	v18 =	vld.idx.msk [tilespmem:v22+s13+$0x0], $0xffff  }
0x90: {  	v53 =	vor.u32 $0x200, v2;
	[tilespmem:s10+$0x100] =	vst v19;
	v17 =	vld.idx.msk [tilespmem:v21+s13+$0x0], $0xffff  }
0x91: {  	v54 =	vor.u32 $0x200, v1;
	v13 =	vld.idx.msk [tilespmem:v13+s13+$0x0], $0xffff;
	[tilespmem:s30+$0x100] =	vst v20  }
0x92: {  	v12 =	vld.idx.msk [tilespmem:v12+s13+$0x0], $0xffff;
	_ =	sdelay $0x1  }
0x93: {  	p1 =	por !p1, !p1;
	s1 =	simm.s32 $0x1;
	[tilespmem:s5+$0x180] =	vst v18  }
0x94: {  	s1 =	simm.s32 @!p1 $0x0;
	[tilespmem:s3+$0x180] =	vst v17;
	v18 =	vld.idx.msk [tilespmem:v53+s13+$0x0], $0xffff  }
0x95: {  	v55 =	vor.u32 $0x280, v2;
	s1 =	sshll.u32 s1, $0x6;
	[tilespmem:s10+$0x180] =	vst v13;
	v56 =	vld.idx.msk [tilespmem:v54+s13+$0x0], $0xffff  }
0x96: {  	v57 =	vor.u32 $0x280, v1;
	s1 =	sadd.s32 s1, s25;
	v11 =	vld.idx.msk [tilespmem:v11+s13+$0x0], $0xffff;
	[tilespmem:s30+$0x180] =	vst v12  }
0x97: {  	s30 =	sadd.s32 $0x30, s1;
	v9 =	vld.idx.msk [tilespmem:v9+s13+$0x0], $0xffff  }
0x98: {  	s7 =	sor.u32 $0x200, s30  }
0x99: {  	s31 =	sadd.s32 $0x10, s1;
	s11 =	sor.u32 $0x200, s1;
	[tilespmem:s7+$0x8800] =	vst v18  }
0x9a: {  	s8 =	sadd.s32 $0x20, s1;
	s9 =	sor.u32 $0x200, s31;
	[tilespmem:s11+$0x8800] =	vst v56;
	v13 =	vld.idx.msk [tilespmem:v55+s13+$0x0], $0xffff  }
0x9b: {  	v58 =	vor.u32 $0x300, v2;
	s10 =	sor.u32 $0x200, s8;
	[tilespmem:s9+$0x8800] =	vst v11;
	v59 =	vld.idx.msk [tilespmem:v57+s13+$0x0], $0xffff  }
0x9c: {  	v60 =	vor.u32 $0x300, v1;
	v8 =	vld.idx.msk [tilespmem:v8+s13+$0x0], $0xffff;
	[tilespmem:s10+$0x8800] =	vst v9  }
0x9d: {  	v7 =	vld.idx.msk [tilespmem:v7+s13+$0x0], $0xffff  }
0x9e: {  	[tilespmem:s6+$0x8800] =	vst v14;
	s12 =	sor.u32 $0x280, s30  }
0x9f: {  	s19 =	sor.u32 $0x280, s1;
	[tilespmem:s12+$0x8800] =	vst v13  }
0xa0: {  	v0 =	vor.u32 $0x380, v0;
	s16 =	sor.u32 $0x280, s31;
	[tilespmem:s19+$0x8800] =	vst v59;
	v11 =	vld.idx.msk [tilespmem:v58+s13+$0x0], $0xffff  }
0xa1: {  	v61 =	vor.u32 $0x380, v2;
	s18 =	sor.u32 $0x280, s8;
	[tilespmem:s16+$0x8800] =	vst v8;
	v62 =	vld.idx.msk [tilespmem:v60+s13+$0x0], $0xffff  }
0xa2: {  	v63 =	vor.u32 $0x380, v1;
	v6 =	vld.idx.msk [tilespmem:v6+s13+$0x0], $0xffff;
	[tilespmem:s18+$0x8800] =	vst v7  }
0xa3: {  	[tilespmem:s0+$0x8800] =	vst v15;
	v5 =	vld.idx.msk [tilespmem:v5+s13+$0x0], $0xffff  }
0xa4: {  	v3 =	vld.idx.msk [tilespmem:v3+s13+$0x0], $0xffff;
	[tilespmem:s2+$0x8800] =	vst v16;
	s20 =	sor.u32 $0x300, s30  }
0xa5: {  	s25 =	sor.u32 $0x300, s1;
	v0 =	vld.idx.msk [tilespmem:v0+s13+$0x0], $0xffff;
	[tilespmem:s20+$0x8800] =	vst v11  }
0xa6: {  	s21 =	sor.u32 $0x300, s31;
	[tilespmem:s25+$0x8800] =	vst v62;
	v2 =	vld.idx.msk [tilespmem:v61+s13+$0x0], $0xffff  }
0xa7: {  	s24 =	sor.u32 $0x300, s8;
	[tilespmem:s21+$0x8800] =	vst v6;
	v1 =	vld.idx.msk [tilespmem:v63+s13+$0x0], $0xffff  }
0xa8: {  	v4 =	vld.idx.msk [tilespmem:v4+s13+$0x0], $0xffff;
	[tilespmem:s24+$0x8800] =	vst v5  }
0xa9: {  	[tilespmem:s28+$0x8800] =	vst v3;
	v5 =	vld.idx.msk [tilespmem:v10+s13+$0x0], $0xffff  }
0xaa: {  	s28 =	sor.u32 $0x380, s30;
	[tilespmem:s26+$0x8800] =	vst v0  }
0xab: {  	s1 =	sor.u32 $0x380, s1;
	[tilespmem:s28+$0x8800] =	vst v2  }
0xac: {  	p1 =	sne.s32 s22, $0x1F;
	s29 =	sor.u32 $0x380, s31;
	[tilespmem:s1+$0x8800] =	vst v1  }
.Ltmp3:
0xad: {  	s30 =	sor.u32 $0x380, s8;
	[tilespmem:s29+$0x8800] =	vst v4;
	(pc) =	sbr.rel @p1 .LBB2_6-.Ltmp3, $4  }
0xae: {  	[tilespmem:s30+$0x8800] =	vst v5  }
0xaf: {  	s24 =	sshll.u32 s22, $0xC;
	s0 =	rddreg [dreg:$0x6]  }
0xb0: {  	s31 =	simm.s32 $0x8800;
	s0 =	sadd.s32 s24, s0  }
0xb1: {  	[hbm4b:s0+s4] =	stream.linear.scatter [tilespmem:s31], [sflag:$0x3], $0x4000, $0x38;
	[tilespmem:$0x10800] =	vst v63  }
.Ltmp4:
0xb2: {  	(pc) =	sbr.rel .LBB2_7-.Ltmp4, $4  }
0xb3: {  	_ = 	snop  }
0xb4: {  	_ =	swait.ge [sflag:s17], $0x4000  }
0xb5: {  	[sflag:s17] =	ssyncset.done $0x0  }
0xb6: {  	[sflag:s17] =	ssyncadd.s32 $0xFFFFC000  }
.LBB2_6:
0xb7: {  	s0 =	rddreg [dreg:$0x7]  }
0xb8: {  	s0 =	sadd.s32 s23, s0  }
0xb9: {  	s0 =	sshll.u32 s0, $0xB  }
0xba: {  	s1 =	rddreg [dreg:$0x0];
	s0 =	sand.u32 $0x1FFFF000, s0  }
.Ltmp5:
0xbb: {  	s0 =	sadd.s32 s1, s0;
	(pc) =	sbr.rel @p0 .LBB2_8-.Ltmp5, $4  }
0xbc: {  	[tilespmem:s13], [sflag:$0x1] =	stream.linear.gather [hbm4b:s0+s4], $0x4000, $0x38;
	[tilespmem:$0x10800] =	vst v63  }
0xbd: {  	_ =	swait.ge [sflag:s17], $0x4000  }
0xbe: {  	[sflag:s17] =	ssyncset.done $0x0  }
0xbf: {  	[sflag:s17] =	ssyncadd.s32 $0xFFFFC000  }
.LBB2_7:
0xc0: {  	s0 =	simm.s32 $0x4  }
0xc1: {  	_ =	swait.ge [sflag:s0], $0x4000  }
0xc2: {  	[sflag:s0] =	ssyncset.done $0x0  }
0xc3: {  	[sflag:s0] =	ssyncadd.s32 $0xFFFFC000  }
.LBB2_8:
0xc4: {  	s0 =	simm.s32 $0x0  }
0xc5: {  	s1 =	sand.u32 $0x40, s0  }
0xc6: {  	s2 =	sand.u32 $0x780, s0;
	s3 =	sor.u32 $0x30, s1  }
0xc7: {  	s5 =	sor.u32 s3, s2  }
0xc8: {  	v0 =	vld [tilespmem:s5+$0x0]  }
0xc9: {  	v1 =	vld [tilespmem:s0+$0x0];
	s20 =	sor.u32 $0x10, s1  }
0xca: {  	s6 =	sor.u32 $0x20, s1;
	s7 =	sor.u32 s20, s2  }
0xcb: {  	s2 =	sor.u32 s6, s2;
	v2 =	vld [tilespmem:s7+$0x0]  }
0xcc: {  	v3 =	vld [tilespmem:s2+$0x0]  }
0xcd: {  	v4 =	vshll.u32 v0, $0x3  }
0xce: {  	v5 =	vshll.u32 v1, $0x3;
	v0 =	vand.u32 $0x7F, v0;
	v4 =	vand.u32 $0xFFFFFC00, v4  }
0xcf: {  	v1 =	vand.u32 $0x7F, v1;
	v6 =	vand.u32 $0xFFFFFC00, v5;
	v5 =	vor.u32 v0, v4  }
0xd0: {  	v0 =	vor.u32 v1, v6;
	v1 =	vshll.u32 v2, $0x3  }
0xd1: {  	v4 =	vshll.u32 v3, $0x3;
	v2 =	vand.u32 $0x7F, v2;
	v1 =	vand.u32 $0xFFFFFC00, v1  }
0xd2: {  	v6 =	vand.u32 $0xFFFFFC00, v4;
	v4 =	vor.u32 v2, v1;
	v1 =	vand.u32 $0x7F, v3  }
0xd3: {  	v3 =	vor.u32 v1, v6  }
0xd4: {  	v1 =	vld.idx.msk [tilespmem:v5+s14+$0x0], $0xffff  }
0xd5: {  	v6 =	vor.u32 $0x80, v5;
	v2 =	vld.idx.msk [tilespmem:v0+s14+$0x0], $0xffff  }
0xd6: {  	s0 =	sand.u32 $0x3C00, s0;
	v7 =	vor.u32 $0x80, v0  }
0xd7: {  	s0 =	sadd.s32 $0xC800, s0;
	v8 =	vld.idx.msk [tilespmem:v4+s14+$0x0], $0xffff  }
0xd8: {  	s21 =	sor.u32 s3, s0;
	v9 =	vor.u32 $0x80, v4;
	v10 =	vld.idx.msk [tilespmem:v3+s14+$0x0], $0xffff  }
0xd9: {  	s1 =	sor.u32 s1, s0;
	v11 =	vor.u32 $0x80, v3;
	[tilespmem:s21+$0x0] =	vst v1  }
0xda: {  	[tilespmem:s1+$0x0] =	vst v2;
	v1 =	vld.idx.msk [tilespmem:v6+s14+$0x0], $0xffff  }
0xdb: {  	s26 =	sor.u32 s20, s0;
	v2 =	vld.idx.msk [tilespmem:v7+s14+$0x0], $0xffff;
	v6 =	vor.u32 $0x100, v5  }
0xdc: {  	s6 =	sor.u32 s6, s0;
	v7 =	vor.u32 $0x100, v0;
	[tilespmem:s26+$0x0] =	vst v8  }
0xdd: {  	v8 =	vld.idx.msk [tilespmem:v9+s14+$0x0], $0xffff;
	[tilespmem:s6+$0x0] =	vst v10  }
0xde: {  	v9 =	vor.u32 $0x100, v4;
	v10 =	vld.idx.msk [tilespmem:v11+s14+$0x0], $0xffff  }
0xdf: {  	v11 =	vor.u32 $0x100, v3;
	[tilespmem:s21+$0x80] =	vst v1  }
0xe0: {  	[tilespmem:s1+$0x80] =	vst v2;
	v1 =	vld.idx.msk [tilespmem:v6+s14+$0x0], $0xffff  }
0xe1: {  	v2 =	vld.idx.msk [tilespmem:v7+s14+$0x0], $0xffff;
	v6 =	vor.u32 $0x180, v5  }
0xe2: {  	v7 =	vor.u32 $0x180, v0;
	[tilespmem:s26+$0x80] =	vst v8  }
0xe3: {  	v8 =	vld.idx.msk [tilespmem:v9+s14+$0x0], $0xffff;
	[tilespmem:s6+$0x80] =	vst v10  }
0xe4: {  	s25 =	simm.s32 $0x40;
	v9 =	vor.u32 $0x180, v4;
	v10 =	vld.idx.msk [tilespmem:v11+s14+$0x0], $0xffff  }
0xe5: {  	s0 =	sand.u32 $0x40, s25;
	v11 =	vld [tilespmem:s25+$0x0];
	[tilespmem:s21+$0x100] =	vst v1  }
0xe6: {  	s9 =	sand.u32 $0x780, s25;
	s5 =	sor.u32 $0x30, s0;
	[tilespmem:s1+$0x100] =	vst v2;
	v1 =	vld.idx.msk [tilespmem:v6+s14+$0x0], $0xffff  }
0xe7: {  	s8 =	sor.u32 s5, s9;
	v2 =	vor.u32 $0x180, v3;
	v6 =	vld.idx.msk [tilespmem:v7+s14+$0x0], $0xffff  }
0xe8: {  	s3 =	sor.u32 $0x10, s0;
	v7 =	vor.u32 $0x200, v5;
	[tilespmem:s26+$0x100] =	vst v8;
	v8 =	vld [tilespmem:s8+$0x0]  }
0xe9: {  	s11 =	sor.u32 $0x20, s0;
	s10 =	sor.u32 s3, s9;
	v9 =	vld.idx.msk [tilespmem:v9+s14+$0x0], $0xffff  }
0xea: {  	s9 =	sor.u32 s11, s9;
	v13 =	vld [tilespmem:s10+$0x0];
	v12 =	vor.u32 $0x200, v4;
	v14 =	vshll.u32 v11, $0x3  }
0xeb: {  	v15 =	vld [tilespmem:s9+$0x0];
	[tilespmem:s6+$0x100] =	vst v10;
	v10 =	vor.u32 $0x200, v0;
	v11 =	vand.u32 $0x7F, v11;
	v14 =	vand.u32 $0xFFFFFC00, v14  }
0xec: {  	p0 =	por $0x0, $0x0;
	s2 =	simm.s32 $0x1;
	v16 =	vld.idx.msk [tilespmem:v2+s14+$0x0], $0xffff;
	[tilespmem:s21+$0x180] =	vst v1;
	v1 =	vor.u32 v11, v14  }
0xed: {  	s2 =	simm.s32 @!p0 $0x0;
	v11 =	vor.u32 $0x200, v3;
	v7 =	vld.idx.msk [tilespmem:v7+s14+$0x0], $0xffff;
	v2 =	vshll.u32 v8, $0x3  }
0xee: {  	s2 =	sshll.u32 s2, $0x6;
	v8 =	vand.u32 $0x7F, v8;
	[tilespmem:s26+$0x180] =	vst v9;
	v2 =	vand.u32 $0xFFFFFC00, v2;
	v9 =	vor.u32 $0x280, v5  }
0xef: {  	s2 =	sadd.s32 $0x0, s2;
	v14 =	vor.u32 $0x280, v4;
	[tilespmem:s1+$0x180] =	vst v6;
	v6 =	vld.idx.msk [tilespmem:v12+s14+$0x0], $0xffff;
	v12 =	vshll.u32 v13, $0x3;
	v2 =	vor.u32 v8, v2  }
0xf0: {  	s1 =	sadd.s32 $0x30, s2;
	v8 =	vld.idx.msk [tilespmem:v10+s14+$0x0], $0xffff;
	v10 =	vshll.u32 v15, $0x3;
	v13 =	vand.u32 $0x7F, v13;
	v12 =	vand.u32 $0xFFFFFC00, v12  }
0xf1: {  	s12 =	sor.u32 $0x200, s1;
	v10 =	vand.u32 $0xFFFFFC00, v10;
	[tilespmem:s6+$0x180] =	vst v16;
	v17 =	vld.idx.msk [tilespmem:v1+s14+$0x0], $0xffff;
	v21 =	vor.u32 v13, v12;
	v12 =	vand.u32 $0x7F, v15  }
0xf2: {  	s9 =	sadd.s32 $0x10, s2;
	v11 =	vld.idx.msk [tilespmem:v11+s14+$0x0], $0xffff;
	v10 =	vor.u32 v12, v10;
	[tilespmem:s12+$0xC800] =	vst v7  }
0xf3: {  	s16 =	sor.u32 $0x200, s9;
	v7 =	vor.u32 $0x280, v0;
	v9 =	vld.idx.msk [tilespmem:v9+s14+$0x0], $0xffff  }
0xf4: {  	s18 =	sor.u32 $0x200, s2;
	s26 =	simm.s32 $0x200;
	v12 =	vor.u32 $0x280, v3;
	v13 =	vld.idx.msk [tilespmem:v2+s14+$0x0], $0xffff;
	[tilespmem:s16+$0xC800] =	vst v6  }
0xf5: {  	s20 =	sand.u32 $0x3C00, s26;
	s16 =	sadd.s32 $0x20, s2;
	[tilespmem:s18+$0xC800] =	vst v8;
	v8 =	vor.u32 $0x80, v1;
	v6 =	vld.idx.msk [tilespmem:v14+s14+$0x0], $0xffff  }
0xf6: {  	s21 =	sadd.s32 $0xC800, s20;
	v14 =	vor.u32 $0x300, v5;
	s19 =	sor.u32 $0x200, s16;
	v15 =	vld.idx.msk [tilespmem:v21+s14+$0x0], $0xffff  }
0xf7: {  	v16 =	vor.u32 $0x80, v2;
	s6 =	sor.u32 s0, s21;
	[tilespmem:s19+$0xC800] =	vst v11;
	v18 =	vld.idx.msk [tilespmem:v10+s14+$0x0], $0xffff  }
0xf8: {  	s7 =	sor.u32 $0x280, s1;
	v19 =	vor.u32 $0x80, v21;
	[tilespmem:s6+$0x0] =	vst v17;
	v22 =	vld.idx.msk [tilespmem:v7+s14+$0x0], $0xffff  }
0xf9: {  	s12 =	sor.u32 s5, s21;
	v7 =	vor.u32 $0x80, v10;
	v11 =	vld.idx.msk [tilespmem:v12+s14+$0x0], $0xffff;
	[tilespmem:s7+$0xC800] =	vst v9  }
0xfa: {  	s31 =	sor.u32 s11, s21;
	s11 =	sor.u32 $0x280, s9;
	v9 =	vor.u32 $0x300, v4;
	[tilespmem:s12+$0x0] =	vst v13;
	v8 =	vld.idx.msk [tilespmem:v8+s14+$0x0], $0xffff  }
0xfb: {  	s5 =	sor.u32 s3, s21;
	v13 =	vor.u32 $0x300, v3;
	v12 =	vld.idx.msk [tilespmem:v14+s14+$0x0], $0xffff;
	[tilespmem:s11+$0xC800] =	vst v6  }
0xfc: {  	v5 =	vor.u32 $0x380, v5;
	v16 =	vld.idx.msk [tilespmem:v16+s14+$0x0], $0xffff;
	[tilespmem:s5+$0x0] =	vst v15  }
0xfd: {  	s18 =	sor.u32 $0x280, s16;
	v17 =	vor.u32 $0x100, v2;
	v15 =	vld.idx.msk [tilespmem:v19+s14+$0x0], $0xffff;
	[tilespmem:s31+$0x0] =	vst v18  }
0xfe: {  	s20 =	sor.u32 $0x280, s2;
	v18 =	vor.u32 $0x100, v1;
	[tilespmem:s18+$0xC800] =	vst v11;
	v7 =	vld.idx.msk [tilespmem:v7+s14+$0x0], $0xffff  }
0xff: {  	s19 =	sor.u32 $0x300, s1;
	v6 =	vor.u32 $0x100, v21;
	[tilespmem:s20+$0xC800] =	vst v22;
	v23 =	vld.idx.msk [tilespmem:v9+s14+$0x0], $0xffff  }
0x100: {  	v20 =	vor.u32 $0x100, v10;
	v14 =	vld.idx.msk [tilespmem:v13+s14+$0x0], $0xffff;
	[tilespmem:s19+$0xC800] =	vst v12  }
0x101: {  	[tilespmem:s12+$0x80] =	vst v16;
	v16 =	vor.u32 $0x300, v0;
	v24 =	vld.idx.msk [tilespmem:v5+s14+$0x0], $0xffff  }
0x102: {  	v25 =	vor.u32 $0x380, v4;
	[tilespmem:s6+$0x80] =	vst v8;
	v19 =	vld.idx.msk [tilespmem:v17+s14+$0x0], $0xffff  }
0x103: {  	v4 =	vor.u32 $0x380, v21;
	v17 =	vld.idx.msk [tilespmem:v18+s14+$0x0], $0xffff;
	[tilespmem:s5+$0x80] =	vst v15  }
0x104: {  	v11 =	vor.u32 $0x200, v21;
	v22 =	vor.u32 $0x180, v2;
	v13 =	vor.u32 $0x180, v21;
	v18 =	vld.idx.msk [tilespmem:v6+s14+$0x0], $0xffff;
	[tilespmem:s31+$0x80] =	vst v7  }
0x105: {  	s30 =	simm.s32 $0x4;
	s28 =	sor.u32 $0x380, s2;
	s21 =	sor.u32 $0x300, s9;
	v8 =	vor.u32 $0x280, v21;
	v6 =	vor.u32 $0x300, v21;
	v21 =	vor.u32 $0x180, v1;
	v20 =	vld.idx.msk [tilespmem:v20+s14+$0x0], $0xffff  }
0x106: {  	s0 =	sor.u32 $0x380, s9;
	s3 =	sor.u32 $0x300, s2;
	s1 =	sor.u32 $0x380, s1;
	v3 =	vor.u32 $0x380, v3;
	v9 =	vor.u32 $0x200, v10;
	v12 =	vor.u32 $0x180, v10;
	[tilespmem:s21+$0xC800] =	vst v23;
	v15 =	vld.idx.msk [tilespmem:v16+s14+$0x0], $0xffff  }
0x107: {  	s2 =	simm.s32 $0x80;
	s10 =	sor.u32 $0x300, s16;
	s29 =	sor.u32 $0x380, s16;
	v5 =	vor.u32 $0x300, v10;
	v7 =	vor.u32 $0x280, v10;
	v10 =	vor.u32 $0x380, v10;
	v16 =	vld.idx.msk [tilespmem:v25+s14+$0x0], $0xffff;
	[tilespmem:s1+$0xC800] =	vst v24  }
.LBB2_9:
0x108: {  	v23 =	vld [tilespmem:s2+$0x0];
	[tilespmem:s12+$0x100] =	vst v19;
	s25 =	sadd.s32 $0x40, s25  }
0x109: {  	s30 =	sadd.s32 $0x4, s30;
	s20 =	sand.u32 $0x40, s25;
	[tilespmem:s6+$0x100] =	vst v17;
	v17 =	vld.idx.msk [tilespmem:v22+s14+$0x0], $0xffff  }
0x10a: {  	s1 =	sand.u32 $0x780, s25;
	p1 =	slt.u32 s30, $0x7C;
	s21 =	sor.u32 $0x30, s20;
	v19 =	vld.idx.msk [tilespmem:v21+s14+$0x0], $0xffff;
	[tilespmem:s5+$0x100] =	vst v18  }
0x10b: {  	s16 =	sor.u32 $0x10, s20;
	s8 =	sor.u32 $0x20, s20;
	v18 =	vor.u32 $0x200, v2;
	s7 =	sor.u32 s21, s1;
	v13 =	vld.idx.msk [tilespmem:v13+s14+$0x0], $0xffff;
	[tilespmem:s31+$0x100] =	vst v20  }
0x10c: {  	v21 =	vor.u32 $0x200, v1;
	s9 =	sor.u32 s16, s1;
	s1 =	sor.u32 s8, s1;
	v20 =	vld [tilespmem:s7+$0x0];
	[tilespmem:s10+$0xC800] =	vst v14  }
0x10d: {  	v14 =	vld [tilespmem:s9+$0x0];
	[tilespmem:s3+$0xC800] =	vst v15  }
0x10e: {  	v15 =	vshll.u32 v23, $0x3;
	v22 =	vld [tilespmem:s1+$0x0];
	[tilespmem:s0+$0xC800] =	vst v16  }
0x10f: {  	v16 =	vand.u32 $0x7F, v23;
	v15 =	vand.u32 $0xFFFFFC00, v15;
	v12 =	vld.idx.msk [tilespmem:v12+s14+$0x0], $0xffff;
	[tilespmem:s12+$0x180] =	vst v17;
	v17 =	vor.u32 $0x380, v0;
	v0 =	vmovc v1  }
0x110: {  	p0 =	por !p0, !p0;
	s0 =	simm.s32 $0x1;
	v1 =	vor.u32 v16, v15;
	[tilespmem:s6+$0x180] =	vst v19;
	v15 =	vld.idx.msk [tilespmem:v18+s14+$0x0], $0xffff  }
0x111: {  	s0 =	simm.s32 @!p0 $0x0;
	v16 =	vshll.u32 v20, $0x3;
	v18 =	vld.idx.msk [tilespmem:v21+s14+$0x0], $0xffff;
	[tilespmem:s5+$0x180] =	vst v13  }
0x112: {  	s0 =	sshll.u32 s0, $0x6;
	v13 =	vand.u32 $0x7F, v20;
	v16 =	vand.u32 $0xFFFFFC00, v16;
	v19 =	vld.idx.msk [tilespmem:v11+s14+$0x0], $0xffff;
	v11 =	vor.u32 $0x280, v2  }
0x113: {  	s5 =	sadd.s32 s0, s26;
	v20 =	vshll.u32 v14, $0x3;
	v21 =	vshll.u32 v22, $0x3;
	v16 =	vor.u32 v13, v16;
	v23 =	vld.idx.msk [tilespmem:v3+s14+$0x0], $0xffff;
	v3 =	vmovc v10  }
0x114: {  	s0 =	sadd.s32 $0x10, s5;
	s6 =	sadd.s32 $0x20, s5;
	s19 =	sadd.s32 $0x30, s5;
	v10 =	vand.u32 $0x7F, v14;
	v13 =	vand.u32 $0xFFFFFC00, v20;
	v14 =	vand.u32 $0xFFFFFC00, v21;
	v17 =	vld.idx.msk [tilespmem:v17+s14+$0x0], $0xffff  }
0x115: {  	s12 =	sor.u32 $0x200, s0;
	s1 =	sor.u32 $0x200, s19;
	v10 =	vor.u32 v10, v13;
	v13 =	vand.u32 $0x7F, v22;
	v21 =	vor.u32 $0x280, v0;
	v20 =	vld.idx.msk [tilespmem:v1+s14+$0x0], $0xffff;
	[tilespmem:s31+$0x180] =	vst v12;
	s31 =	sor.u32 $0x200, s6  }
0x116: {  	s3 =	sor.u32 $0x200, s5;
	s11 =	sor.u32 $0x280, s0;
	s7 =	sor.u32 $0x280, s6;
	v22 =	vor.u32 $0x80, v10;
	v24 =	vor.u32 $0x100, v10;
	v14 =	vor.u32 v13, v14;
	v25 =	vld.idx.msk [tilespmem:v9+s14+$0x0], $0xffff;
	[tilespmem:s1+$0xC800] =	vst v15  }
0x117: {  	s9 =	sor.u32 $0x280, s5;
	s10 =	sor.u32 $0x300, s6;
	v13 =	vor.u32 $0x180, v10;
	v15 =	vor.u32 $0x80, v14;
	v26 =	vor.u32 $0x100, v14;
	s1 =	sor.u32 $0x300, s0;
	[tilespmem:s3+$0xC800] =	vst v18;
	v18 =	vld.idx.msk [tilespmem:v11+s14+$0x0], $0xffff  }
0x118: {  	s6 =	sor.u32 $0x380, s6;
	v12 =	vor.u32 $0x180, v14;
	v9 =	vor.u32 $0x200, v14;
	s0 =	sor.u32 $0x380, s0;
	v11 =	vor.u32 $0x200, v10;
	s3 =	sor.u32 $0x300, s5;
	v27 =	vld.idx.msk [tilespmem:v16+s14+$0x0], $0xffff;
	[tilespmem:s12+$0xC800] =	vst v19  }
0x119: {  	v29 =	vor.u32 $0x300, v2;
	s5 =	sor.u32 $0x380, s5;
	v19 =	vor.u32 $0x280, v14;
	v28 =	vld.idx.msk [tilespmem:v8+s14+$0x0], $0xffff;
	v8 =	vor.u32 $0x280, v10;
	[tilespmem:s29+$0xC800] =	vst v23;
	s29 =	smov.u32 s6  }
0x11a: {  	s26 =	sadd.s32 $0x200, s26;
	v32 =	vor.u32 $0x80, v16;
	v30 =	vor.u32 $0x300, v10;
	v31 =	vor.u32 $0x300, v14;
	v23 =	vld.idx.msk [tilespmem:v10+s14+$0x0], $0xffff;
	[tilespmem:s28+$0xC800] =	vst v17;
	s28 =	smov.u32 s5  }
0x11b: {  	v33 =	vor.u32 $0x380, v10;
	s5 =	sand.u32 $0x3C00, s26;
	v17 =	vor.u32 $0x80, v1;
	v10 =	vor.u32 $0x380, v14;
	v34 =	vld.idx.msk [tilespmem:v14+s14+$0x0], $0xffff  }
0x11c: {  	s18 =	sadd.s32 $0xC800, s5;
	v35 =	vld.idx.msk [tilespmem:v21+s14+$0x0], $0xffff;
	[tilespmem:s31+$0xC800] =	vst v25;
	s31 =	sor.u32 $0x280, s19  }
0x11d: {  	s6 =	sor.u32 s20, s18;
	s5 =	sor.u32 s16, s18;
	s12 =	sor.u32 s21, s18;
	v14 =	vld.idx.msk [tilespmem:v7+s14+$0x0], $0xffff;
	[tilespmem:s31+$0xC800] =	vst v18;
	v7 =	vmov v19  }
0x11e: {  	s31 =	sor.u32 s8, s18;
	[tilespmem:s12+$0x0] =	vst v27;
	v18 =	vld.idx.msk [tilespmem:v29+s14+$0x0], $0xffff  }
0x11f: {  	[tilespmem:s6+$0x0] =	vst v20;
	v19 =	vld.idx.msk [tilespmem:v32+s14+$0x0], $0xffff  }
0x120: {  	v20 =	vor.u32 $0x380, v2;
	v2 =	vmov v16;
	v17 =	vld.idx.msk [tilespmem:v17+s14+$0x0], $0xffff;
	[tilespmem:s5+$0x0] =	vst v23  }
0x121: {  	v21 =	vor.u32 $0x100, v2;
	v16 =	vld.idx.msk [tilespmem:v22+s14+$0x0], $0xffff;
	[tilespmem:s31+$0x0] =	vst v34  }
0x122: {  	v22 =	vor.u32 $0x100, v1;
	v15 =	vld.idx.msk [tilespmem:v15+s14+$0x0], $0xffff;
	[tilespmem:s11+$0xC800] =	vst v28  }
0x123: {  	v23 =	vld.idx.msk [tilespmem:v6+s14+$0x0], $0xffff;
	[tilespmem:s7+$0xC800] =	vst v14;
	s7 =	sor.u32 $0x300, s19;
	v6 =	vmov v30  }
0x124: {  	v14 =	vld.idx.msk [tilespmem:v5+s14+$0x0], $0xffff;
	[tilespmem:s7+$0xC800] =	vst v18;
	v5 =	vmov v31  }
0x125: {  	v25 =	vor.u32 $0x300, v0;
	[tilespmem:s12+$0x80] =	vst v19;
	v27 =	vld.idx.msk [tilespmem:v20+s14+$0x0], $0xffff  }
0x126: {  	[tilespmem:s6+$0x80] =	vst v17;
	v19 =	vld.idx.msk [tilespmem:v21+s14+$0x0], $0xffff  }
.Ltmp6:
0x127: {  	v17 =	vld.idx.msk [tilespmem:v22+s14+$0x0], $0xffff;
	[tilespmem:s5+$0x80] =	vst v16;
	(pc) =	sbr.rel @p1 .LBB2_9-.Ltmp6, $4  }
0x128: {  	v22 =	vor.u32 $0x180, v2;
	v18 =	vld.idx.msk [tilespmem:v24+s14+$0x0], $0xffff;
	[tilespmem:s31+$0x80] =	vst v15  }
0x129: {  	v21 =	vor.u32 $0x180, v1;
	v20 =	vld.idx.msk [tilespmem:v26+s14+$0x0], $0xffff;
	[tilespmem:s9+$0xC800] =	vst v35  }
0x12a: {  	v15 =	vld.idx.msk [tilespmem:v25+s14+$0x0], $0xffff;
	[tilespmem:s1+$0xC800] =	vst v23;
	s1 =	sor.u32 $0x380, s19  }
0x12b: {  	s2 =	sadd.s32 $0x40, s2;
	v16 =	vld.idx.msk [tilespmem:v4+s14+$0x0], $0xffff;
	[tilespmem:s1+$0xC800] =	vst v27;
	v4 =	vmov v33  }
0x12c: {  	_ =	sdelay $0x2  }
0x12d: {  	[tilespmem:s12+$0x100] =	vst v19  }
0x12e: {  	[tilespmem:s6+$0x100] =	vst v17;
	v19 =	vld.idx.msk [tilespmem:v22+s14+$0x0], $0xffff  }
0x12f: {  	v53 =	vor.u32 $0x200, v2;
	[tilespmem:s5+$0x100] =	vst v18;
	v17 =	vld.idx.msk [tilespmem:v21+s14+$0x0], $0xffff  }
0x130: {  	v54 =	vor.u32 $0x200, v1;
	v13 =	vld.idx.msk [tilespmem:v13+s14+$0x0], $0xffff;
	[tilespmem:s31+$0x100] =	vst v20  }
0x131: {  	v12 =	vld.idx.msk [tilespmem:v12+s14+$0x0], $0xffff;
	_ =	sdelay $0x1  }
0x132: {  	p0 =	por !p0, !p0;
	s1 =	simm.s32 $0x1;
	[tilespmem:s12+$0x180] =	vst v19  }
0x133: {  	s1 =	simm.s32 @!p0 $0x0;
	[tilespmem:s6+$0x180] =	vst v17;
	v18 =	vld.idx.msk [tilespmem:v53+s14+$0x0], $0xffff  }
0x134: {  	v55 =	vor.u32 $0x280, v2;
	s1 =	sshll.u32 s1, $0x6;
	[tilespmem:s5+$0x180] =	vst v13;
	v56 =	vld.idx.msk [tilespmem:v54+s14+$0x0], $0xffff  }
0x135: {  	v57 =	vor.u32 $0x280, v1;
	s1 =	sadd.s32 s1, s26;
	v11 =	vld.idx.msk [tilespmem:v11+s14+$0x0], $0xffff;
	[tilespmem:s31+$0x180] =	vst v12  }
0x136: {  	s2 =	sadd.s32 $0x30, s1;
	v9 =	vld.idx.msk [tilespmem:v9+s14+$0x0], $0xffff  }
0x137: {  	s31 =	sor.u32 $0x200, s2  }
0x138: {  	s30 =	sadd.s32 $0x10, s1;
	s11 =	sor.u32 $0x200, s1;
	[tilespmem:s31+$0xC800] =	vst v18  }
0x139: {  	s7 =	sadd.s32 $0x20, s1;
	s8 =	sor.u32 $0x200, s30;
	[tilespmem:s11+$0xC800] =	vst v56;
	v13 =	vld.idx.msk [tilespmem:v55+s14+$0x0], $0xffff  }
0x13a: {  	v58 =	vor.u32 $0x300, v2;
	s9 =	sor.u32 $0x200, s7;
	[tilespmem:s8+$0xC800] =	vst v11;
	v59 =	vld.idx.msk [tilespmem:v57+s14+$0x0], $0xffff  }
0x13b: {  	v60 =	vor.u32 $0x300, v1;
	v8 =	vld.idx.msk [tilespmem:v8+s14+$0x0], $0xffff;
	[tilespmem:s9+$0xC800] =	vst v9  }
0x13c: {  	v7 =	vld.idx.msk [tilespmem:v7+s14+$0x0], $0xffff  }
0x13d: {  	[tilespmem:s10+$0xC800] =	vst v14;
	s12 =	sor.u32 $0x280, s2  }
0x13e: {  	s19 =	sor.u32 $0x280, s1;
	[tilespmem:s12+$0xC800] =	vst v13  }
0x13f: {  	v0 =	vor.u32 $0x380, v0;
	s16 =	sor.u32 $0x280, s30;
	[tilespmem:s19+$0xC800] =	vst v59;
	v11 =	vld.idx.msk [tilespmem:v58+s14+$0x0], $0xffff  }
0x140: {  	v61 =	vor.u32 $0x380, v2;
	s18 =	sor.u32 $0x280, s7;
	[tilespmem:s16+$0xC800] =	vst v8;
	v62 =	vld.idx.msk [tilespmem:v60+s14+$0x0], $0xffff  }
0x141: {  	v63 =	vor.u32 $0x380, v1;
	v6 =	vld.idx.msk [tilespmem:v6+s14+$0x0], $0xffff;
	[tilespmem:s18+$0xC800] =	vst v7  }
0x142: {  	[tilespmem:s3+$0xC800] =	vst v15;
	v5 =	vld.idx.msk [tilespmem:v5+s14+$0x0], $0xffff  }
0x143: {  	v3 =	vld.idx.msk [tilespmem:v3+s14+$0x0], $0xffff;
	[tilespmem:s0+$0xC800] =	vst v16;
	s20 =	sor.u32 $0x300, s2  }
0x144: {  	s26 =	sor.u32 $0x300, s1;
	v0 =	vld.idx.msk [tilespmem:v0+s14+$0x0], $0xffff;
	[tilespmem:s20+$0xC800] =	vst v11  }
0x145: {  	s21 =	sor.u32 $0x300, s30;
	[tilespmem:s26+$0xC800] =	vst v62;
	v2 =	vld.idx.msk [tilespmem:v61+s14+$0x0], $0xffff  }
0x146: {  	s25 =	sor.u32 $0x300, s7;
	[tilespmem:s21+$0xC800] =	vst v6;
	v1 =	vld.idx.msk [tilespmem:v63+s14+$0x0], $0xffff  }
0x147: {  	v4 =	vld.idx.msk [tilespmem:v4+s14+$0x0], $0xffff;
	[tilespmem:s25+$0xC800] =	vst v5  }
0x148: {  	[tilespmem:s29+$0xC800] =	vst v3;
	v5 =	vld.idx.msk [tilespmem:v10+s14+$0x0], $0xffff  }
0x149: {  	[tilespmem:s28+$0xC800] =	vst v0;
	s28 =	sor.u32 $0x380, s2  }
0x14a: {  	s1 =	sor.u32 $0x380, s1;
	[tilespmem:s28+$0xC800] =	vst v2  }
0x14b: {  	p0 =	seq.s32 s22, $0x1F;
	s29 =	sor.u32 $0x380, s30;
	[tilespmem:s1+$0xC800] =	vst v1  }
.Ltmp7:
0x14c: {  	s30 =	sor.u32 $0x380, s7;
	[tilespmem:s29+$0xC800] =	vst v4;
	(pc) =	sbr.rel @p0 .LBB2_12-.Ltmp7, $4  }
0x14d: {  	[tilespmem:s30+$0xC800] =	vst v5  }
0x14e: {  	s0 =	rddreg [dreg:$0xa]  }
0x14f: {  	s31 =	simm.s32 $0xC800;
	s0 =	sadd.s32 s0, s24  }
0x150: {  	[hbm4b:s0+s4] =	stream.linear.scatter [tilespmem:s31], [sflag:$0x4], $0x4000, $0x38;
	[tilespmem:$0x10800] =	vst v63  }
.Ltmp8:
0x151: {  	s0 =	rddreg [dreg:$0x8];
	(pc) =	sbr.rel .LBB2_2-.Ltmp8, $4  }
0x152: {  	s0 =	sadd.s32 s23, s0  }
0x153: {  	s1 =	rddreg [dreg:$0x0];
	s0 =	sshll.u32 s0, $0xB  }
0x154: {  	s22 =	sadd.s32 $0x1, s22;
	s0 =	sadd.s32 s1, s0  }
0x155: {  	[tilespmem:s14], [sflag:$0x2] =	stream.linear.gather [hbm4b:s0+s4], $0x4000, $0x38;
	[tilespmem:$0x10800] =	vst v63  }
.LBB2_13:
0x156: {  	_ =	sfence.sel $0x180000  }
0x157: {  	[bflag:$0x0] =	sbarrier.arrive $0xFFFF  }
0x158: {  	_ =	strace $0x90000047  }
0x159: {  	s0 =	stileid.u32;
	[bflag:$0x2] =	sbarrier.arrive $0xFFFF  }
0x15a: {  	p0 =	sne.s32 s0, $0x0;
	s0 =	rddreg [dreg:$0x3]  }
0x15b: {  	s0 =	sadd.s32 @!p0 $0x100000, s0  }
0x15c: {  	[sflag:s0] =	ssyncadd.tile.s32 @!p0 $0x1;
	_ =	shalt  }
.Lfunc_end2:
_tile_overlayer_lowered:
.L_overlay_start_2:
0x15d: {  	(tag) =	ssettag $0x2  }
0x15e: {  	s0 =	rddreg [dreg:$0x0];
	s2 =	stileid.u32  }
0x15f: {  	s1 =	rddreg [dreg:$0x1];
	p0 =	sne.s32 s2, $0x0  }
0x160: {  	s3 =	rddreg [dreg:$0x2];
	[bflag:$0x3] =	sbarrier.arrive $0xFFFF;
	s2 =	simm.s32 @!p0 $0x1C05  }
0x161: {  	[timem:s3], [sflag:s2] =	dma.local @!p0 [hbm:s0], s1  }
0x162: {  	s0 =	simm.s32 @!p0 $0x5  }
0x163: {  	_ =	swait.ge @!p0 [sflag:s0], s1  }
0x164: {  	s1 =	ssub.s32 @!p0 $0x0, s1;
	[sflag:s0] =	ssyncset.done @!p0 $0x0  }
0x165: {  	[sflag:s0] =	ssyncadd.s32 @!p0 s1  }
0x166: {  	[bflag:$0x3] =	sbarrier.arrive $0xFFFF  }
0x167: {  	_ =	shalt  }

</sc_bundles>
